<compile_context>
chip_gen: v7x
topology: tpu7x:2x2x1
jax: 0.10.2.dev20260603
libtpu: 0.0.44.dev20260713+nightly
codegen_flags: <defaults>
</compile_context>

<pallas_src>
import functools

import jax
import jax.numpy as jnp
from jax import lax
from jax.experimental import pallas as pl
from jax.experimental.pallas import tpu as pltpu
from jax.experimental.pallas import tpu_sc as plsc

N = 10000
D = 128
DH = D // 2
E = 320000

NC = 2
NS = 16
NW = NC * NS
CHUNK = 128
EPAD = 327680
SCHUNK = 64
NCHUNK = EPAD // (NS * SCHUNK)
NBUF = 2
NPAD = 10016
STRIP = NPAD // NS
HPAD = 10240
HSTRIP = HPAD // NS
HCHUNK = EPAD // (NW * CHUNK)

_mesh = plsc.VectorSubcoreMesh(core_axis_name="c", subcore_axis_name="s")


@functools.partial(
    pl.kernel,
    out_type=jax.ShapeDtypeStruct((NC, HPAD, 16), jnp.float32),
    mesh=_mesh,
    scratch_types=[
        pltpu.VMEM((HCHUNK, CHUNK), jnp.int32),
        pltpu.VMEM((CHUNK, 16), jnp.float32),
        pltpu.VMEM_SHARED((HPAD, 16), jnp.float32),
        pltpu.SemaphoreType.DMA,
    ],
)
def _sc_hist(src_hbm, ones_hbm, zeros_hbm, out_hbm, idx_v, ones_v, hist_sh,
             sem):
    c = lax.axis_index("c")
    s = lax.axis_index("s")
    wid = c * NS + s
    pltpu.sync_copy(src_hbm.at[wid], idx_v)
    pltpu.sync_copy(ones_hbm, ones_v)
    pltpu.sync_copy(zeros_hbm.at[pl.ds(s * HSTRIP, HSTRIP)],
                    hist_sh.at[pl.ds(s * HSTRIP, HSTRIP)])
    plsc.subcore_barrier()

    @pl.loop(0, HCHUNK)
    def _(j):
        pltpu.async_copy(ones_v, hist_sh.at[idx_v.at[j]], sem, add=True)

    pltpu.make_async_copy(zeros_hbm, hist_sh, sem).wait()
    plsc.subcore_barrier()
    pltpu.sync_copy(hist_sh.at[pl.ds(s * HSTRIP, HSTRIP)],
                    out_hbm.at[c, pl.ds(s * HSTRIP, HSTRIP)])


@functools.partial(
    pl.kernel,
    out_type=jax.ShapeDtypeStruct((NC, NPAD, DH), jnp.float32),
    mesh=_mesh,
    scratch_types=[
        pltpu.VMEM((NCHUNK, SCHUNK), jnp.int32),
        pltpu.VMEM((NCHUNK, SCHUNK), jnp.int32),
        pltpu.VMEM((NBUF * SCHUNK, DH), jnp.float32),
        pltpu.VMEM_SHARED((NPAD, DH), jnp.float32),
        pltpu.VMEM_SHARED((N, DH), jnp.float32),
        [pltpu.SemaphoreType.DMA for _ in range(NBUF)],
    ],
    compiler_params=pltpu.CompilerParams(use_tc_tiling_on_sc=False),
)
def _sc_spmm(src_hbm, dst_hbm, z2_hbm, out_hbm,
             si_v, di_v, bufs, w_sh, z_sh, sems):
    c = lax.axis_index("c")
    s = lax.axis_index("s")
    pltpu.sync_copy(src_hbm.at[s], si_v)
    pltpu.sync_copy(dst_hbm.at[s], di_v)

    zrows = NBUF * SCHUNK
    @pl.loop(0, zrows)
    def _(i):
        for k in range(DH // 16):
            bufs[i, pl.ds(k * 16, 16)] = jnp.zeros((16,), jnp.float32)

    base = s * STRIP
    off = 0
    while off < STRIP:
        n = min(zrows, STRIP - off)
        pltpu.sync_copy(bufs.at[pl.ds(0, n)], w_sh.at[pl.ds(base + off, n)])
        off += n
    @pl.when(s < NS // 2)
    def _():
        pltpu.sync_copy(z2_hbm.at[c, pl.ds(s * (N // 8), N // 8)],
                        z_sh.at[pl.ds(s * (N // 8), N // 8)])

    plsc.subcore_barrier()

    zc = z_sh

    def buf(b):
        return bufs.at[pl.ds(b * SCHUNK, SCHUNK)]

    def gather_start(j, b):
        pltpu.async_copy(zc.at[di_v.at[j]], buf(b), sems[b])

    def gather_wait(j, b):
        pltpu.make_async_copy(zc.at[di_v.at[j]], buf(b), sems[b]).wait()

    def scatter_sync(j, b):
        pltpu.sync_copy(buf(b), w_sh.at[si_v.at[j]], add=True)

    for b in range(NBUF):
        gather_start(b, b)

    @pl.loop(0, NCHUNK - NBUF, step=NBUF)
    def _(i):
        for b in range(NBUF):
            gather_wait(i + b, b)
            scatter_sync(i + b, b)
            gather_start(i + NBUF + b, b)

    for b in range(NBUF):
        gather_wait(NCHUNK - NBUF + b, b)
        scatter_sync(NCHUNK - NBUF + b, b)

    plsc.subcore_barrier()
    pltpu.sync_copy(w_sh.at[pl.ds(s * STRIP, STRIP)],
                    out_hbm.at[c, pl.ds(s * STRIP, STRIP)])


def _deg_inv_sqrt(hist):
    h = hist[0] + hist[1]
    deg = h[0:N, 0:1] + 2.0
    return lax.rsqrt(deg)


def _tc_norm_body(x_ref, xn_ref):
    x = x_ref[...]
    mean = jnp.mean(x, axis=0, keepdims=True)
    xc = x - mean
    var = jnp.sum(xc * xc, axis=0, keepdims=True) / (N - 1)
    std = jnp.sqrt(var)
    std = jnp.where(std == 0.0, 1.0, std)
    xn_ref[...] = xc / std


def _tc_scale_body(xn_ref, hist_ref, z2_ref):
    z = _deg_inv_sqrt(hist_ref[...]) * xn_ref[...]
    z2_ref[0, :, :] = z[:, 0:DH]
    z2_ref[1, :, :] = z[:, DH:D]


def _tc_final_body(w_ref, z2_ref, hist_ref, y_ref):
    w = w_ref[...]
    z2 = z2_ref[...]
    dinv = _deg_inv_sqrt(hist_ref[...])
    ylo = dinv * (w[0, 0:N, :] + 2.0 * z2[0])
    yhi = dinv * (w[1, 0:N, :] + 2.0 * z2[1])
    y_ref[...] = jnp.concatenate([ylo, yhi], axis=1)


def kernel(x, edge_index):
    src = edge_index[0]
    dst = edge_index[1]
    pad = EPAD - E
    srcp = jnp.concatenate([src, jnp.full((pad,), N, jnp.int32)])
    dstp = jnp.concatenate([dst, jnp.zeros((pad,), jnp.int32)])
    src3h = srcp.reshape(NW, HCHUNK, CHUNK)
    src3 = srcp.reshape(NS, NCHUNK, SCHUNK)
    dst3 = dstp.reshape(NS, NCHUNK, SCHUNK)

    ones16 = jnp.concatenate(
        [jnp.ones((CHUNK, 1), jnp.float32),
         jnp.zeros((CHUNK, 15), jnp.float32)], axis=1)
    zeros16 = jnp.zeros((HPAD, 16), jnp.float32)

    hist = _sc_hist(src3h, ones16, zeros16)

    xn = pl.pallas_call(
        _tc_norm_body,
        out_shape=jax.ShapeDtypeStruct((N, D), jnp.float32),
    )(x)

    z2 = pl.pallas_call(
        _tc_scale_body,
        out_shape=jax.ShapeDtypeStruct((NC, N, DH), jnp.float32),
    )(xn, hist)

    w = _sc_spmm(src3, dst3, z2)

    y = pl.pallas_call(
        _tc_final_body,
        out_shape=jax.ShapeDtypeStruct((N, D), jnp.float32),
    )(w, z2, hist)
    return y

# --- scband reference (transcript-rebuilt; emitter-appended) ---
"""Pipeline reference for scband-ogb-data-loader-69475390980447 (READ-ONLY COPY).

The authoritative reference and input builder live on the scoring server;
editing this copy changes nothing except your own understanding.
"""

import jax, jax.numpy as jnp
import numpy as np

N_NODES = 10000
D_FEAT = 128
N_EDGES = 320000


def setup_inputs(seed: int = 0) -> dict:
    key = jax.random.key(seed)
    k1, k2 = jax.random.split(key)
    x = jax.random.normal(k1, (N_NODES, D_FEAT), dtype=jnp.float32)
    edge_index = jax.random.randint(k2, (2, N_EDGES), 0, N_NODES, dtype=jnp.int32)
    return {"x": x, "edge_index": edge_index}


def reference(x, edge_index):
    # Faithful translation of OgbDataLoader preprocessing pipeline:
    #   Adj = A + I (self-loop added in __init__)
    #   features = normalize_data(features)   (per-column standardization, unbiased std)
    #   features = GCF(Adj, features, k=1)    (adj = Adj + I = A + 2I inside GCF;
    #                                          filter = D^{-1/2} adj D^{-1/2}; x = filter @ x)
    n = x.shape[0]
    # --- normalize_data ---
    mean = x.mean(axis=0)
    std = x.std(axis=0, ddof=1)  # torch.std default is unbiased
    std = jnp.where(std == 0, jnp.ones_like(std), std)
    x = (x - mean) / std
    # --- GCF with k=1 ---
    src = edge_index[0]
    dst = edge_index[1]
    ones = jnp.ones(src.shape[0], dtype=x.dtype)
    # row sums of (A + 2I): sparse row degree + 2 from the two identity additions
    deg = jax.ops.segment_sum(ones, src, num_segments=n) + 2.0
    dinv = jnp.power(deg, -0.5)
    # off-diagonal part: out[src] += dinv[src] * dinv[dst] * x[dst]  (gather + scatter-add)
    coeff = dinv[src] * dinv[dst]
    msgs = coeff[:, None] * jnp.take(x, dst, axis=0)
    y = jax.ops.segment_sum(msgs, src, num_segments=n)
    # diagonal part: 2I contributes 2 * dinv_i^2 * x_i
    y = y + 2.0 * (dinv * dinv)[:, None] * x
    return y

if __name__ == "__main__":
    import jax
    _d = setup_inputs()
    print(jax.jit(kernel)(*tuple(_d.values())))

</pallas_src>

<mosaic_0001>
#map = affine_map<(d0, d1) -> (0, 0, 0)>
#map1 = affine_map<(d0, d1) -> (0, 0)>
module attributes {stable_mosaic.version = 14 : i64} {
  func.func @_sc_hist(%arg0: i32, %arg1: i32, %arg2: memref<32x80x128xi32, #tpu.memory_space<hbm>>, %arg3: memref<128x16xf32, #tpu.memory_space<hbm>>, %arg4: memref<10240x16xf32, #tpu.memory_space<hbm>>, %arg5: memref<2x10240x16xf32, #tpu.memory_space<hbm>>, %arg6: memref<80x128xi32, #tpu.memory_space<vmem>>, %arg7: memref<128x16xf32, #tpu.memory_space<vmem>>, %arg8: memref<10240x16xf32, #tpu.memory_space<vmem_shared>>, %arg9: memref<!tpu.dma_semaphore, #tpu.memory_space<semaphore_mem>>) attributes {dimension_semantics = [#tpu.dimension_semantics<core_parallel>, #tpu.dimension_semantics<subcore_parallel>], iteration_bounds = array<i64: 2, 16>, scalar_prefetch = 0 : i64, scratch_operands = 4 : i64, tpu.core_type = #tpu.core_type<sc_vector_subcore>, window_params = [{transform_indices = #map}, {transform_indices = #map1}, {transform_indices = #map1}, {transform_indices = #map}]} {
    %mul3A = arith.constant 16 : i32
    %mul3A_0 = arith.muli %arg0, %mul3A : i32
    %add3A = arith.addi %mul3A_0, %arg1 : i32
    "tpu.region"() ({
      %run_scoped3A = tpu.sem_alloc : memref<!tpu.dma_semaphore, #tpu.memory_space<semaphore_mem>>
      %dma_start3A = arith.constant 0 : i32
      %dma_start3A_14 = arith.constant 0 : i32
      %dma_start3A_15 = tpu.memref_slice %arg2[%add3A, %dma_start3A, %dma_start3A_14] : memref<32x80x128xi32, #tpu.memory_space<hbm>> -> memref<1x80x128xi32, #tpu.memory_space<hbm>>
      %dma_start3A_16 = tpu.memref_squeeze %dma_start3A_15 : memref<1x80x128xi32, #tpu.memory_space<hbm>> -> memref<80x128xi32, #tpu.memory_space<hbm>>
      %dma_start3A_17 = arith.constant 0 : i32
      %dma_start3A_18 = arith.constant 0 : i32
      %dma_start3A_19 = tpu.memref_slice %arg2[%add3A, %dma_start3A_17, %dma_start3A_18] : memref<32x80x128xi32, #tpu.memory_space<hbm>> -> memref<1x80x128xi32, #tpu.memory_space<hbm>>
      %dma_start3A_20 = tpu.memref_squeeze %dma_start3A_19 : memref<1x80x128xi32, #tpu.memory_space<hbm>> -> memref<80x128xi32, #tpu.memory_space<hbm>>
      tpu.enqueue_dma source(%dma_start3A_20 : memref<80x128xi32, #tpu.memory_space<hbm>>) target(%arg6 : memref<80x128xi32, #tpu.memory_space<vmem>>) target_semaphore(%run_scoped3A : memref<!tpu.dma_semaphore, #tpu.memory_space<semaphore_mem>>)
      %dma_wait3A = arith.constant 0 : i32
      %dma_wait3A_21 = arith.constant 0 : i32
      %dma_wait3A_22 = tpu.memref_slice %arg2[%add3A, %dma_wait3A, %dma_wait3A_21] : memref<32x80x128xi32, #tpu.memory_space<hbm>> -> memref<1x80x128xi32, #tpu.memory_space<hbm>>
      %dma_wait3A_23 = tpu.memref_squeeze %dma_wait3A_22 : memref<1x80x128xi32, #tpu.memory_space<hbm>> -> memref<80x128xi32, #tpu.memory_space<hbm>>
      %dma_wait3A_24 = arith.constant 0 : i32
      %dma_wait3A_25 = arith.constant 0 : i32
      %dma_wait3A_26 = tpu.memref_slice %arg2[%add3A, %dma_wait3A_24, %dma_wait3A_25] : memref<32x80x128xi32, #tpu.memory_space<hbm>> -> memref<1x80x128xi32, #tpu.memory_space<hbm>>
      %dma_wait3A_27 = tpu.memref_squeeze %dma_wait3A_26 : memref<1x80x128xi32, #tpu.memory_space<hbm>> -> memref<80x128xi32, #tpu.memory_space<hbm>>
      tpu.wait_dma2 semaphore(%run_scoped3A : memref<!tpu.dma_semaphore, #tpu.memory_space<semaphore_mem>>) src(%dma_wait3A_27 : memref<80x128xi32, #tpu.memory_space<hbm>>) dst(%arg6 : memref<80x128xi32, #tpu.memory_space<vmem>>)
      tpu.yield
    }) : () -> ()
    "tpu.region"() ({
      %run_scoped3A = tpu.sem_alloc : memref<!tpu.dma_semaphore, #tpu.memory_space<semaphore_mem>>
      tpu.enqueue_dma source(%arg3 : memref<128x16xf32, #tpu.memory_space<hbm>>) target(%arg7 : memref<128x16xf32, #tpu.memory_space<vmem>>) target_semaphore(%run_scoped3A : memref<!tpu.dma_semaphore, #tpu.memory_space<semaphore_mem>>)
      tpu.wait_dma2 semaphore(%run_scoped3A : memref<!tpu.dma_semaphore, #tpu.memory_space<semaphore_mem>>) src(%arg3 : memref<128x16xf32, #tpu.memory_space<hbm>>) dst(%arg7 : memref<128x16xf32, #tpu.memory_space<vmem>>)
      tpu.yield
    }) : () -> ()
    %mul3A_1 = arith.constant 640 : i32
    %mul3A_2 = arith.muli %arg1, %mul3A_1 : i32
    %mul3A_3 = arith.constant 640 : i32
    %mul3A_4 = arith.muli %arg1, %mul3A_3 : i32
    "tpu.region"() ({
      %run_scoped3A = tpu.sem_alloc : memref<!tpu.dma_semaphore, #tpu.memory_space<semaphore_mem>>
      %dma_start3A = arith.constant 0 : i32
      %dma_start3A_14 = tpu.memref_slice %arg8[%mul3A_4, %dma_start3A] : memref<10240x16xf32, #tpu.memory_space<vmem_shared>> -> memref<640x16xf32, #tpu.memory_space<vmem_shared>>
      %dma_start3A_15 = arith.constant 0 : i32
      %dma_start3A_16 = tpu.memref_slice %arg4[%mul3A_2, %dma_start3A_15] : memref<10240x16xf32, #tpu.memory_space<hbm>> -> memref<640x16xf32, #tpu.memory_space<hbm>>
      tpu.enqueue_dma source(%dma_start3A_16 : memref<640x16xf32, #tpu.memory_space<hbm>>) target(%dma_start3A_14 : memref<640x16xf32, #tpu.memory_space<vmem_shared>>) target_semaphore(%run_scoped3A : memref<!tpu.dma_semaphore, #tpu.memory_space<semaphore_mem>>)
      %dma_wait3A = arith.constant 0 : i32
      %dma_wait3A_17 = tpu.memref_slice %arg8[%mul3A_4, %dma_wait3A] : memref<10240x16xf32, #tpu.memory_space<vmem_shared>> -> memref<640x16xf32, #tpu.memory_space<vmem_shared>>
      %dma_wait3A_18 = arith.constant 0 : i32
      %dma_wait3A_19 = tpu.memref_slice %arg4[%mul3A_2, %dma_wait3A_18] : memref<10240x16xf32, #tpu.memory_space<hbm>> -> memref<640x16xf32, #tpu.memory_space<hbm>>
      tpu.wait_dma2 semaphore(%run_scoped3A : memref<!tpu.dma_semaphore, #tpu.memory_space<semaphore_mem>>) src(%dma_wait3A_19 : memref<640x16xf32, #tpu.memory_space<hbm>>) dst(%dma_wait3A_17 : memref<640x16xf32, #tpu.memory_space<vmem_shared>>)
      tpu.yield
    }) : () -> ()
    %barrier3A = arith.constant 0 : index
    tpu.barrier barrier_id(%barrier3A)
    %scan3A = arith.constant 0 : i32
    %scan3A_5 = arith.constant 80 : i32
    %scan3A_6 = arith.addi %scan3A, %scan3A_5 : i32
    %scan3A_7 = arith.constant 1 : i32
    scf.for %scan3A_14 = %scan3A to %scan3A_6 step %scan3A_7  : i32 {
      %mul3A_15 = arith.constant 1 : i32
      %mul3A_16 = arith.muli %scan3A_14, %mul3A_15 : i32
      %add3A_17 = arith.constant 0 : i32
      %add3A_18 = arith.addi %add3A_17, %mul3A_16 : i32
      %dma_start3A = arith.constant 0 : i32
      %dma_start3A_19 = tpu.memref_slice %arg6[%add3A_18, %dma_start3A] : memref<80x128xi32, #tpu.memory_space<vmem>> -> memref<1x128xi32, #tpu.memory_space<vmem>>
      %dma_start3A_20 = tpu.memref_squeeze %dma_start3A_19 : memref<1x128xi32, #tpu.memory_space<vmem>> -> memref<128xi32, #tpu.memory_space<vmem>>
      %dma_start3A_21 = arith.constant 0 : i32
      %dma_start3A_22 = arith.constant 0 : i32
      %dma_start3A_23 = tpu.memref_slice %arg8[%dma_start3A_21, %dma_start3A_22] : memref<10240x16xf32, #tpu.memory_space<vmem_shared>> -> memref<10240x16xf32, #tpu.memory_space<vmem_shared>>
      tpu.enqueue_indirect_dma source(%arg7 : memref<128x16xf32, #tpu.memory_space<vmem>>) target(%dma_start3A_23 : memref<10240x16xf32, #tpu.memory_space<vmem_shared>>) offsets(%dma_start3A_20 : memref<128xi32, #tpu.memory_space<vmem>>) semaphore(%arg9 : memref<!tpu.dma_semaphore, #tpu.memory_space<semaphore_mem>>) {add = true}
    }
    %scan3A_8 = arith.constant 80 : i32
    tpu.wait_dma2 semaphore(%arg9 : memref<!tpu.dma_semaphore, #tpu.memory_space<semaphore_mem>>) src(%arg4 : memref<10240x16xf32, #tpu.memory_space<hbm>>) dst(%arg8 : memref<10240x16xf32, #tpu.memory_space<vmem_shared>>)
    %barrier3A_9 = arith.constant 0 : index
    tpu.barrier barrier_id(%barrier3A_9)
    %mul3A_10 = arith.constant 640 : i32
    %mul3A_11 = arith.muli %arg1, %mul3A_10 : i32
    %mul3A_12 = arith.constant 640 : i32
    %mul3A_13 = arith.muli %arg1, %mul3A_12 : i32
    "tpu.region"() ({
      %run_scoped3A = tpu.sem_alloc : memref<!tpu.dma_semaphore, #tpu.memory_space<semaphore_mem>>
      %dma_start3A = arith.constant 0 : i32
      %dma_start3A_14 = tpu.memref_slice %arg5[%arg0, %mul3A_13, %dma_start3A] : memref<2x10240x16xf32, #tpu.memory_space<hbm>> -> memref<1x640x16xf32, #tpu.memory_space<hbm>>
      %dma_start3A_15 = tpu.memref_squeeze %dma_start3A_14 : memref<1x640x16xf32, #tpu.memory_space<hbm>> -> memref<640x16xf32, #tpu.memory_space<hbm>>
      %dma_start3A_16 = arith.constant 0 : i32
      %dma_start3A_17 = tpu.memref_slice %arg8[%mul3A_11, %dma_start3A_16] : memref<10240x16xf32, #tpu.memory_space<vmem_shared>> -> memref<640x16xf32, #tpu.memory_space<vmem_shared>>
      tpu.enqueue_dma source(%dma_start3A_17 : memref<640x16xf32, #tpu.memory_space<vmem_shared>>) target(%dma_start3A_15 : memref<640x16xf32, #tpu.memory_space<hbm>>) target_semaphore(%run_scoped3A : memref<!tpu.dma_semaphore, #tpu.memory_space<semaphore_mem>>)
      %dma_wait3A = arith.constant 0 : i32
      %dma_wait3A_18 = tpu.memref_slice %arg5[%arg0, %mul3A_13, %dma_wait3A] : memref<2x10240x16xf32, #tpu.memory_space<hbm>> -> memref<1x640x16xf32, #tpu.memory_space<hbm>>
      %dma_wait3A_19 = tpu.memref_squeeze %dma_wait3A_18 : memref<1x640x16xf32, #tpu.memory_space<hbm>> -> memref<640x16xf32, #tpu.memory_space<hbm>>
      %dma_wait3A_20 = arith.constant 0 : i32
      %dma_wait3A_21 = tpu.memref_slice %arg8[%mul3A_11, %dma_wait3A_20] : memref<10240x16xf32, #tpu.memory_space<vmem_shared>> -> memref<640x16xf32, #tpu.memory_space<vmem_shared>>
      tpu.wait_dma2 semaphore(%run_scoped3A : memref<!tpu.dma_semaphore, #tpu.memory_space<semaphore_mem>>) src(%dma_wait3A_21 : memref<640x16xf32, #tpu.memory_space<vmem_shared>>) dst(%dma_wait3A_19 : memref<640x16xf32, #tpu.memory_space<hbm>>)
      tpu.yield
    }) : () -> ()
    return
  }
}

#map = affine_map<(d0, d1) -> (0, 0, 0)>
module attributes {stable_mosaic.version = 14 : i64} {
  func.func @_sc_spmm(%arg0: i32, %arg1: i32, %arg2: memref<16x320x64xi32, #tpu.memory_space<hbm>>, %arg3: memref<16x320x64xi32, #tpu.memory_space<hbm>>, %arg4: memref<2x10000x64xf32, #tpu.memory_space<hbm>>, %arg5: memref<2x10016x64xf32, #tpu.memory_space<hbm>>, %arg6: memref<320x64xi32, #tpu.memory_space<vmem>>, %arg7: memref<320x64xi32, #tpu.memory_space<vmem>>, %arg8: memref<128x64xf32, #tpu.memory_space<vmem>>, %arg9: memref<10016x64xf32, #tpu.memory_space<vmem_shared>>, %arg10: memref<10000x64xf32, #tpu.memory_space<vmem_shared>>, %arg11: memref<!tpu.dma_semaphore, #tpu.memory_space<semaphore_mem>>, %arg12: memref<!tpu.dma_semaphore, #tpu.memory_space<semaphore_mem>>) attributes {dimension_semantics = [#tpu.dimension_semantics<core_parallel>, #tpu.dimension_semantics<subcore_parallel>], iteration_bounds = array<i64: 2, 16>, scalar_prefetch = 0 : i64, scratch_operands = 7 : i64, tpu.core_type = #tpu.core_type<sc_vector_subcore>, window_params = [{transform_indices = #map}, {transform_indices = #map}, {transform_indices = #map}, {transform_indices = #map}]} {
    "tpu.region"() ({
      %run_scoped3A_65 = tpu.sem_alloc : memref<!tpu.dma_semaphore, #tpu.memory_space<semaphore_mem>>
      %dma_start3A_66 = arith.constant 0 : i32
      %dma_start3A_67 = arith.constant 0 : i32
      %dma_start3A_68 = tpu.memref_slice %arg2[%arg1, %dma_start3A_66, %dma_start3A_67] : memref<16x320x64xi32, #tpu.memory_space<hbm>> -> memref<1x320x64xi32, #tpu.memory_space<hbm>>
      %dma_start3A_69 = tpu.memref_squeeze %dma_start3A_68 : memref<1x320x64xi32, #tpu.memory_space<hbm>> -> memref<320x64xi32, #tpu.memory_space<hbm>>
      %dma_start3A_70 = arith.constant 0 : i32
      %dma_start3A_71 = arith.constant 0 : i32
      %dma_start3A_72 = tpu.memref_slice %arg2[%arg1, %dma_start3A_70, %dma_start3A_71] : memref<16x320x64xi32, #tpu.memory_space<hbm>> -> memref<1x320x64xi32, #tpu.memory_space<hbm>>
      %dma_start3A_73 = tpu.memref_squeeze %dma_start3A_72 : memref<1x320x64xi32, #tpu.memory_space<hbm>> -> memref<320x64xi32, #tpu.memory_space<hbm>>
      tpu.enqueue_dma source(%dma_start3A_73 : memref<320x64xi32, #tpu.memory_space<hbm>>) target(%arg6 : memref<320x64xi32, #tpu.memory_space<vmem>>) target_semaphore(%run_scoped3A_65 : memref<!tpu.dma_semaphore, #tpu.memory_space<semaphore_mem>>)
      %dma_wait3A_74 = arith.constant 0 : i32
      %dma_wait3A_75 = arith.constant 0 : i32
      %dma_wait3A_76 = tpu.memref_slice %arg2[%arg1, %dma_wait3A_74, %dma_wait3A_75] : memref<16x320x64xi32, #tpu.memory_space<hbm>> -> memref<1x320x64xi32, #tpu.memory_space<hbm>>
      %dma_wait3A_77 = tpu.memref_squeeze %dma_wait3A_76 : memref<1x320x64xi32, #tpu.memory_space<hbm>> -> memref<320x64xi32, #tpu.memory_space<hbm>>
      %dma_wait3A_78 = arith.constant 0 : i32
      %dma_wait3A_79 = arith.constant 0 : i32
      %dma_wait3A_80 = tpu.memref_slice %arg2[%arg1, %dma_wait3A_78, %dma_wait3A_79] : memref<16x320x64xi32, #tpu.memory_space<hbm>> -> memref<1x320x64xi32, #tpu.memory_space<hbm>>
      %dma_wait3A_81 = tpu.memref_squeeze %dma_wait3A_80 : memref<1x320x64xi32, #tpu.memory_space<hbm>> -> memref<320x64xi32, #tpu.memory_space<hbm>>
      tpu.wait_dma2 semaphore(%run_scoped3A_65 : memref<!tpu.dma_semaphore, #tpu.memory_space<semaphore_mem>>) src(%dma_wait3A_81 : memref<320x64xi32, #tpu.memory_space<hbm>>) dst(%arg6 : memref<320x64xi32, #tpu.memory_space<vmem>>)
      tpu.yield
    }) : () -> ()
    "tpu.region"() ({
      %run_scoped3A_65 = tpu.sem_alloc : memref<!tpu.dma_semaphore, #tpu.memory_space<semaphore_mem>>
      %dma_start3A_66 = arith.constant 0 : i32
      %dma_start3A_67 = arith.constant 0 : i32
      %dma_start3A_68 = tpu.memref_slice %arg3[%arg1, %dma_start3A_66, %dma_start3A_67] : memref<16x320x64xi32, #tpu.memory_space<hbm>> -> memref<1x320x64xi32, #tpu.memory_space<hbm>>
      %dma_start3A_69 = tpu.memref_squeeze %dma_start3A_68 : memref<1x320x64xi32, #tpu.memory_space<hbm>> -> memref<320x64xi32, #tpu.memory_space<hbm>>
      %dma_start3A_70 = arith.constant 0 : i32
      %dma_start3A_71 = arith.constant 0 : i32
      %dma_start3A_72 = tpu.memref_slice %arg3[%arg1, %dma_start3A_70, %dma_start3A_71] : memref<16x320x64xi32, #tpu.memory_space<hbm>> -> memref<1x320x64xi32, #tpu.memory_space<hbm>>
      %dma_start3A_73 = tpu.memref_squeeze %dma_start3A_72 : memref<1x320x64xi32, #tpu.memory_space<hbm>> -> memref<320x64xi32, #tpu.memory_space<hbm>>
      tpu.enqueue_dma source(%dma_start3A_73 : memref<320x64xi32, #tpu.memory_space<hbm>>) target(%arg7 : memref<320x64xi32, #tpu.memory_space<vmem>>) target_semaphore(%run_scoped3A_65 : memref<!tpu.dma_semaphore, #tpu.memory_space<semaphore_mem>>)
      %dma_wait3A_74 = arith.constant 0 : i32
      %dma_wait3A_75 = arith.constant 0 : i32
      %dma_wait3A_76 = tpu.memref_slice %arg3[%arg1, %dma_wait3A_74, %dma_wait3A_75] : memref<16x320x64xi32, #tpu.memory_space<hbm>> -> memref<1x320x64xi32, #tpu.memory_space<hbm>>
      %dma_wait3A_77 = tpu.memref_squeeze %dma_wait3A_76 : memref<1x320x64xi32, #tpu.memory_space<hbm>> -> memref<320x64xi32, #tpu.memory_space<hbm>>
      %dma_wait3A_78 = arith.constant 0 : i32
      %dma_wait3A_79 = arith.constant 0 : i32
      %dma_wait3A_80 = tpu.memref_slice %arg3[%arg1, %dma_wait3A_78, %dma_wait3A_79] : memref<16x320x64xi32, #tpu.memory_space<hbm>> -> memref<1x320x64xi32, #tpu.memory_space<hbm>>
      %dma_wait3A_81 = tpu.memref_squeeze %dma_wait3A_80 : memref<1x320x64xi32, #tpu.memory_space<hbm>> -> memref<320x64xi32, #tpu.memory_space<hbm>>
      tpu.wait_dma2 semaphore(%run_scoped3A_65 : memref<!tpu.dma_semaphore, #tpu.memory_space<semaphore_mem>>) src(%dma_wait3A_81 : memref<320x64xi32, #tpu.memory_space<hbm>>) dst(%arg7 : memref<320x64xi32, #tpu.memory_space<vmem>>)
      tpu.yield
    }) : () -> ()
    %scan3A = arith.constant 0 : i32
    %scan3A_0 = arith.constant 128 : i32
    %scan3A_1 = arith.addi %scan3A, %scan3A_0 : i32
    %scan3A_2 = arith.constant 1 : i32
    scf.for %scan3A_65 = %scan3A to %scan3A_1 step %scan3A_2  : i32 {
      %mul3A_66 = arith.constant 1 : i32
      %mul3A_67 = arith.muli %scan3A_65, %mul3A_66 : i32
      %add3A_68 = arith.constant 0 : i32
      %add3A_69 = arith.addi %add3A_68, %mul3A_67 : i32
      %broadcast_in_dim3A = arith.constant 0.000000e+00 : f32
      %broadcast_in_dim3A_70 = vector.broadcast %broadcast_in_dim3A : f32 to vector<16xf32>
      %swap3A = arith.index_cast %add3A_69 : i32 to index
      %swap3A_71 = arith.constant 0 : index
      %swap3A_72 = tpu.vector_load %arg8[%swap3A, %swap3A_71] {strides = array<i32>} : memref<128x64xf32, #tpu.memory_space<vmem>>, vector<1x16xf32>,
      %swap3A_73 = vector.shape_cast %swap3A_72 : vector<1x16xf32> to vector<16xf32>
      %swap3A_74 = vector.shape_cast %broadcast_in_dim3A_70 : vector<16xf32> to vector<1x16xf32>
      tpu.vector_store %arg8[%swap3A, %swap3A_71], %swap3A_74 {strides = array<i32>} : memref<128x64xf32, #tpu.memory_space<vmem>>, vector<1x16xf32>,
      %broadcast_in_dim3A_75 = arith.constant 0.000000e+00 : f32
      %broadcast_in_dim3A_76 = vector.broadcast %broadcast_in_dim3A_75 : f32 to vector<16xf32>
      %swap3A_77 = arith.index_cast %add3A_69 : i32 to index
      %swap3A_78 = arith.constant 16 : index
      %swap3A_79 = tpu.vector_load %arg8[%swap3A_77, %swap3A_78] {strides = array<i32>} : memref<128x64xf32, #tpu.memory_space<vmem>>, vector<1x16xf32>,
      %swap3A_80 = vector.shape_cast %swap3A_79 : vector<1x16xf32> to vector<16xf32>
      %swap3A_81 = vector.shape_cast %broadcast_in_dim3A_76 : vector<16xf32> to vector<1x16xf32>
      tpu.vector_store %arg8[%swap3A_77, %swap3A_78], %swap3A_81 {strides = array<i32>} : memref<128x64xf32, #tpu.memory_space<vmem>>, vector<1x16xf32>,
      %broadcast_in_dim3A_82 = arith.constant 0.000000e+00 : f32
      %broadcast_in_dim3A_83 = vector.broadcast %broadcast_in_dim3A_82 : f32 to vector<16xf32>
      %swap3A_84 = arith.index_cast %add3A_69 : i32 to index
      %swap3A_85 = arith.constant 32 : index
      %swap3A_86 = tpu.vector_load %arg8[%swap3A_84, %swap3A_85] {strides = array<i32>} : memref<128x64xf32, #tpu.memory_space<vmem>>, vector<1x16xf32>,
      %swap3A_87 = vector.shape_cast %swap3A_86 : vector<1x16xf32> to vector<16xf32>
      %swap3A_88 = vector.shape_cast %broadcast_in_dim3A_83 : vector<16xf32> to vector<1x16xf32>
      tpu.vector_store %arg8[%swap3A_84, %swap3A_85], %swap3A_88 {strides = array<i32>} : memref<128x64xf32, #tpu.memory_space<vmem>>, vector<1x16xf32>,
      %broadcast_in_dim3A_89 = arith.constant 0.000000e+00 : f32
      %broadcast_in_dim3A_90 = vector.broadcast %broadcast_in_dim3A_89 : f32 to vector<16xf32>
      %swap3A_91 = arith.index_cast %add3A_69 : i32 to index
      %swap3A_92 = arith.constant 48 : index
      %swap3A_93 = tpu.vector_load %arg8[%swap3A_91, %swap3A_92] {strides = array<i32>} : memref<128x64xf32, #tpu.memory_space<vmem>>, vector<1x16xf32>,
      %swap3A_94 = vector.shape_cast %swap3A_93 : vector<1x16xf32> to vector<16xf32>
      %swap3A_95 = vector.shape_cast %broadcast_in_dim3A_90 : vector<16xf32> to vector<1x16xf32>
      tpu.vector_store %arg8[%swap3A_91, %swap3A_92], %swap3A_95 {strides = array<i32>} : memref<128x64xf32, #tpu.memory_space<vmem>>, vector<1x16xf32>,
    }
    %scan3A_3 = arith.constant 128 : i32
    %mul3A = arith.constant 626 : i32
    %mul3A_4 = arith.muli %arg1, %mul3A : i32
    %add3A = arith.constant 0 : i32
    %add3A_5 = arith.addi %mul3A_4, %add3A : i32
    "tpu.region"() ({
      %run_scoped3A_65 = tpu.sem_alloc : memref<!tpu.dma_semaphore, #tpu.memory_space<semaphore_mem>>
      %dma_start3A_66 = arith.constant 0 : i32
      %dma_start3A_67 = arith.constant 0 : i32
      %dma_start3A_68 = tpu.memref_slice %arg8[%dma_start3A_66, %dma_start3A_67] : memref<128x64xf32, #tpu.memory_space<vmem>> -> memref<128x64xf32, #tpu.memory_space<vmem>>
      %dma_start3A_69 = arith.constant 0 : i32
      %dma_start3A_70 = tpu.memref_slice %arg9[%add3A_5, %dma_start3A_69] : memref<10016x64xf32, #tpu.memory_space<vmem_shared>> -> memref<128x64xf32, #tpu.memory_space<vmem_shared>>
      %dma_start3A_71 = arith.constant 0 : i32
      %dma_start3A_72 = tpu.memref_slice %arg9[%add3A_5, %dma_start3A_71] : memref<10016x64xf32, #tpu.memory_space<vmem_shared>> -> memref<128x64xf32, #tpu.memory_space<vmem_shared>>
      %dma_start3A_73 = arith.constant 0 : i32
      %dma_start3A_74 = arith.constant 0 : i32
      %dma_start3A_75 = tpu.memref_slice %arg8[%dma_start3A_73, %dma_start3A_74] : memref<128x64xf32, #tpu.memory_space<vmem>> -> memref<128x64xf32, #tpu.memory_space<vmem>>
      tpu.enqueue_dma source(%dma_start3A_75 : memref<128x64xf32, #tpu.memory_space<vmem>>) target(%dma_start3A_72 : memref<128x64xf32, #tpu.memory_space<vmem_shared>>) target_semaphore(%run_scoped3A_65 : memref<!tpu.dma_semaphore, #tpu.memory_space<semaphore_mem>>)
      %dma_wait3A_76 = arith.constant 0 : i32
      %dma_wait3A_77 = arith.constant 0 : i32
      %dma_wait3A_78 = tpu.memref_slice %arg8[%dma_wait3A_76, %dma_wait3A_77] : memref<128x64xf32, #tpu.memory_space<vmem>> -> memref<128x64xf32, #tpu.memory_space<vmem>>
      %dma_wait3A_79 = arith.constant 0 : i32
      %dma_wait3A_80 = tpu.memref_slice %arg9[%add3A_5, %dma_wait3A_79] : memref<10016x64xf32, #tpu.memory_space<vmem_shared>> -> memref<128x64xf32, #tpu.memory_space<vmem_shared>>
      %dma_wait3A_81 = arith.constant 0 : i32
      %dma_wait3A_82 = tpu.memref_slice %arg9[%add3A_5, %dma_wait3A_81] : memref<10016x64xf32, #tpu.memory_space<vmem_shared>> -> memref<128x64xf32, #tpu.memory_space<vmem_shared>>
      %dma_wait3A_83 = arith.constant 0 : i32
      %dma_wait3A_84 = arith.constant 0 : i32
      %dma_wait3A_85 = tpu.memref_slice %arg8[%dma_wait3A_83, %dma_wait3A_84] : memref<128x64xf32, #tpu.memory_space<vmem>> -> memref<128x64xf32, #tpu.memory_space<vmem>>
      tpu.wait_dma2 semaphore(%run_scoped3A_65 : memref<!tpu.dma_semaphore, #tpu.memory_space<semaphore_mem>>) src(%dma_wait3A_85 : memref<128x64xf32, #tpu.memory_space<vmem>>) dst(%dma_wait3A_82 : memref<128x64xf32, #tpu.memory_space<vmem_shared>>)
      tpu.yield
    }) : () -> ()
    %add3A_6 = arith.constant 128 : i32
    %add3A_7 = arith.addi %mul3A_4, %add3A_6 : i32
    "tpu.region"() ({
      %run_scoped3A_65 = tpu.sem_alloc : memref<!tpu.dma_semaphore, #tpu.memory_space<semaphore_mem>>
      %dma_start3A_66 = arith.constant 0 : i32
      %dma_start3A_67 = arith.constant 0 : i32
      %dma_start3A_68 = tpu.memref_slice %arg8[%dma_start3A_66, %dma_start3A_67] : memref<128x64xf32, #tpu.memory_space<vmem>> -> memref<128x64xf32, #tpu.memory_space<vmem>>
      %dma_start3A_69 = arith.constant 0 : i32
      %dma_start3A_70 = tpu.memref_slice %arg9[%add3A_7, %dma_start3A_69] : memref<10016x64xf32, #tpu.memory_space<vmem_shared>> -> memref<128x64xf32, #tpu.memory_space<vmem_shared>>
      %dma_start3A_71 = arith.constant 0 : i32
      %dma_start3A_72 = tpu.memref_slice %arg9[%add3A_7, %dma_start3A_71] : memref<10016x64xf32, #tpu.memory_space<vmem_shared>> -> memref<128x64xf32, #tpu.memory_space<vmem_shared>>
      %dma_start3A_73 = arith.constant 0 : i32
      %dma_start3A_74 = arith.constant 0 : i32
      %dma_start3A_75 = tpu.memref_slice %arg8[%dma_start3A_73, %dma_start3A_74] : memref<128x64xf32, #tpu.memory_space<vmem>> -> memref<128x64xf32, #tpu.memory_space<vmem>>
      tpu.enqueue_dma source(%dma_start3A_75 : memref<128x64xf32, #tpu.memory_space<vmem>>) target(%dma_start3A_72 : memref<128x64xf32, #tpu.memory_space<vmem_shared>>) target_semaphore(%run_scoped3A_65 : memref<!tpu.dma_semaphore, #tpu.memory_space<semaphore_mem>>)
      %dma_wait3A_76 = arith.constant 0 : i32
      %dma_wait3A_77 = arith.constant 0 : i32
      %dma_wait3A_78 = tpu.memref_slice %arg8[%dma_wait3A_76, %dma_wait3A_77] : memref<128x64xf32, #tpu.memory_space<vmem>> -> memref<128x64xf32, #tpu.memory_space<vmem>>
      %dma_wait3A_79 = arith.constant 0 : i32
      %dma_wait3A_80 = tpu.memref_slice %arg9[%add3A_7, %dma_wait3A_79] : memref<10016x64xf32, #tpu.memory_space<vmem_shared>> -> memref<128x64xf32, #tpu.memory_space<vmem_shared>>
      %dma_wait3A_81 = arith.constant 0 : i32
      %dma_wait3A_82 = tpu.memref_slice %arg9[%add3A_7, %dma_wait3A_81] : memref<10016x64xf32, #tpu.memory_space<vmem_shared>> -> memref<128x64xf32, #tpu.memory_space<vmem_shared>>
      %dma_wait3A_83 = arith.constant 0 : i32
      %dma_wait3A_84 = arith.constant 0 : i32
      %dma_wait3A_85 = tpu.memref_slice %arg8[%dma_wait3A_83, %dma_wait3A_84] : memref<128x64xf32, #tpu.memory_space<vmem>> -> memref<128x64xf32, #tpu.memory_space<vmem>>
      tpu.wait_dma2 semaphore(%run_scoped3A_65 : memref<!tpu.dma_semaphore, #tpu.memory_space<semaphore_mem>>) src(%dma_wait3A_85 : memref<128x64xf32, #tpu.memory_space<vmem>>) dst(%dma_wait3A_82 : memref<128x64xf32, #tpu.memory_space<vmem_shared>>)
      tpu.yield
    }) : () -> ()
    %add3A_8 = arith.constant 256 : i32
    %add3A_9 = arith.addi %mul3A_4, %add3A_8 : i32
    "tpu.region"() ({
      %run_scoped3A_65 = tpu.sem_alloc : memref<!tpu.dma_semaphore, #tpu.memory_space<semaphore_mem>>
      %dma_start3A_66 = arith.constant 0 : i32
      %dma_start3A_67 = arith.constant 0 : i32
      %dma_start3A_68 = tpu.memref_slice %arg8[%dma_start3A_66, %dma_start3A_67] : memref<128x64xf32, #tpu.memory_space<vmem>> -> memref<128x64xf32, #tpu.memory_space<vmem>>
      %dma_start3A_69 = arith.constant 0 : i32
      %dma_start3A_70 = tpu.memref_slice %arg9[%add3A_9, %dma_start3A_69] : memref<10016x64xf32, #tpu.memory_space<vmem_shared>> -> memref<128x64xf32, #tpu.memory_space<vmem_shared>>
      %dma_start3A_71 = arith.constant 0 : i32
      %dma_start3A_72 = tpu.memref_slice %arg9[%add3A_9, %dma_start3A_71] : memref<10016x64xf32, #tpu.memory_space<vmem_shared>> -> memref<128x64xf32, #tpu.memory_space<vmem_shared>>
      %dma_start3A_73 = arith.constant 0 : i32
      %dma_start3A_74 = arith.constant 0 : i32
      %dma_start3A_75 = tpu.memref_slice %arg8[%dma_start3A_73, %dma_start3A_74] : memref<128x64xf32, #tpu.memory_space<vmem>> -> memref<128x64xf32, #tpu.memory_space<vmem>>
      tpu.enqueue_dma source(%dma_start3A_75 : memref<128x64xf32, #tpu.memory_space<vmem>>) target(%dma_start3A_72 : memref<128x64xf32, #tpu.memory_space<vmem_shared>>) target_semaphore(%run_scoped3A_65 : memref<!tpu.dma_semaphore, #tpu.memory_space<semaphore_mem>>)
      %dma_wait3A_76 = arith.constant 0 : i32
      %dma_wait3A_77 = arith.constant 0 : i32
      %dma_wait3A_78 = tpu.memref_slice %arg8[%dma_wait3A_76, %dma_wait3A_77] : memref<128x64xf32, #tpu.memory_space<vmem>> -> memref<128x64xf32, #tpu.memory_space<vmem>>
      %dma_wait3A_79 = arith.constant 0 : i32
      %dma_wait3A_80 = tpu.memref_slice %arg9[%add3A_9, %dma_wait3A_79] : memref<10016x64xf32, #tpu.memory_space<vmem_shared>> -> memref<128x64xf32, #tpu.memory_space<vmem_shared>>
      %dma_wait3A_81 = arith.constant 0 : i32
      %dma_wait3A_82 = tpu.memref_slice %arg9[%add3A_9, %dma_wait3A_81] : memref<10016x64xf32, #tpu.memory_space<vmem_shared>> -> memref<128x64xf32, #tpu.memory_space<vmem_shared>>
      %dma_wait3A_83 = arith.constant 0 : i32
      %dma_wait3A_84 = arith.constant 0 : i32
      %dma_wait3A_85 = tpu.memref_slice %arg8[%dma_wait3A_83, %dma_wait3A_84] : memref<128x64xf32, #tpu.memory_space<vmem>> -> memref<128x64xf32, #tpu.memory_space<vmem>>
      tpu.wait_dma2 semaphore(%run_scoped3A_65 : memref<!tpu.dma_semaphore, #tpu.memory_space<semaphore_mem>>) src(%dma_wait3A_85 : memref<128x64xf32, #tpu.memory_space<vmem>>) dst(%dma_wait3A_82 : memref<128x64xf32, #tpu.memory_space<vmem_shared>>)
      tpu.yield
    }) : () -> ()
    %add3A_10 = arith.constant 384 : i32
    %add3A_11 = arith.addi %mul3A_4, %add3A_10 : i32
    "tpu.region"() ({
      %run_scoped3A_65 = tpu.sem_alloc : memref<!tpu.dma_semaphore, #tpu.memory_space<semaphore_mem>>
      %dma_start3A_66 = arith.constant 0 : i32
      %dma_start3A_67 = arith.constant 0 : i32
      %dma_start3A_68 = tpu.memref_slice %arg8[%dma_start3A_66, %dma_start3A_67] : memref<128x64xf32, #tpu.memory_space<vmem>> -> memref<128x64xf32, #tpu.memory_space<vmem>>
      %dma_start3A_69 = arith.constant 0 : i32
      %dma_start3A_70 = tpu.memref_slice %arg9[%add3A_11, %dma_start3A_69] : memref<10016x64xf32, #tpu.memory_space<vmem_shared>> -> memref<128x64xf32, #tpu.memory_space<vmem_shared>>
      %dma_start3A_71 = arith.constant 0 : i32
      %dma_start3A_72 = tpu.memref_slice %arg9[%add3A_11, %dma_start3A_71] : memref<10016x64xf32, #tpu.memory_space<vmem_shared>> -> memref<128x64xf32, #tpu.memory_space<vmem_shared>>
      %dma_start3A_73 = arith.constant 0 : i32
      %dma_start3A_74 = arith.constant 0 : i32
      %dma_start3A_75 = tpu.memref_slice %arg8[%dma_start3A_73, %dma_start3A_74] : memref<128x64xf32, #tpu.memory_space<vmem>> -> memref<128x64xf32, #tpu.memory_space<vmem>>
      tpu.enqueue_dma source(%dma_start3A_75 : memref<128x64xf32, #tpu.memory_space<vmem>>) target(%dma_start3A_72 : memref<128x64xf32, #tpu.memory_space<vmem_shared>>) target_semaphore(%run_scoped3A_65 : memref<!tpu.dma_semaphore, #tpu.memory_space<semaphore_mem>>)
      %dma_wait3A_76 = arith.constant 0 : i32
      %dma_wait3A_77 = arith.constant 0 : i32
      %dma_wait3A_78 = tpu.memref_slice %arg8[%dma_wait3A_76, %dma_wait3A_77] : memref<128x64xf32, #tpu.memory_space<vmem>> -> memref<128x64xf32, #tpu.memory_space<vmem>>
      %dma_wait3A_79 = arith.constant 0 : i32
      %dma_wait3A_80 = tpu.memref_slice %arg9[%add3A_11, %dma_wait3A_79] : memref<10016x64xf32, #tpu.memory_space<vmem_shared>> -> memref<128x64xf32, #tpu.memory_space<vmem_shared>>
      %dma_wait3A_81 = arith.constant 0 : i32
      %dma_wait3A_82 = tpu.memref_slice %arg9[%add3A_11, %dma_wait3A_81] : memref<10016x64xf32, #tpu.memory_space<vmem_shared>> -> memref<128x64xf32, #tpu.memory_space<vmem_shared>>
      %dma_wait3A_83 = arith.constant 0 : i32
      %dma_wait3A_84 = arith.constant 0 : i32
      %dma_wait3A_85 = tpu.memref_slice %arg8[%dma_wait3A_83, %dma_wait3A_84] : memref<128x64xf32, #tpu.memory_space<vmem>> -> memref<128x64xf32, #tpu.memory_space<vmem>>
      tpu.wait_dma2 semaphore(%run_scoped3A_65 : memref<!tpu.dma_semaphore, #tpu.memory_space<semaphore_mem>>) src(%dma_wait3A_85 : memref<128x64xf32, #tpu.memory_space<vmem>>) dst(%dma_wait3A_82 : memref<128x64xf32, #tpu.memory_space<vmem_shared>>)
      tpu.yield
    }) : () -> ()
    %add3A_12 = arith.constant 512 : i32
    %add3A_13 = arith.addi %mul3A_4, %add3A_12 : i32
    "tpu.region"() ({
      %run_scoped3A_65 = tpu.sem_alloc : memref<!tpu.dma_semaphore, #tpu.memory_space<semaphore_mem>>
      %dma_start3A_66 = arith.constant 0 : i32
      %dma_start3A_67 = arith.constant 0 : i32
      %dma_start3A_68 = tpu.memref_slice %arg8[%dma_start3A_66, %dma_start3A_67] : memref<128x64xf32, #tpu.memory_space<vmem>> -> memref<114x64xf32, #tpu.memory_space<vmem>>
      %dma_start3A_69 = arith.constant 0 : i32
      %dma_start3A_70 = tpu.memref_slice %arg9[%add3A_13, %dma_start3A_69] : memref<10016x64xf32, #tpu.memory_space<vmem_shared>> -> memref<114x64xf32, #tpu.memory_space<vmem_shared>>
      %dma_start3A_71 = arith.constant 0 : i32
      %dma_start3A_72 = tpu.memref_slice %arg9[%add3A_13, %dma_start3A_71] : memref<10016x64xf32, #tpu.memory_space<vmem_shared>> -> memref<114x64xf32, #tpu.memory_space<vmem_shared>>
      %dma_start3A_73 = arith.constant 0 : i32
      %dma_start3A_74 = arith.constant 0 : i32
      %dma_start3A_75 = tpu.memref_slice %arg8[%dma_start3A_73, %dma_start3A_74] : memref<128x64xf32, #tpu.memory_space<vmem>> -> memref<114x64xf32, #tpu.memory_space<vmem>>
      tpu.enqueue_dma source(%dma_start3A_75 : memref<114x64xf32, #tpu.memory_space<vmem>>) target(%dma_start3A_72 : memref<114x64xf32, #tpu.memory_space<vmem_shared>>) target_semaphore(%run_scoped3A_65 : memref<!tpu.dma_semaphore, #tpu.memory_space<semaphore_mem>>)
      %dma_wait3A_76 = arith.constant 0 : i32
      %dma_wait3A_77 = arith.constant 0 : i32
      %dma_wait3A_78 = tpu.memref_slice %arg8[%dma_wait3A_76, %dma_wait3A_77] : memref<128x64xf32, #tpu.memory_space<vmem>> -> memref<114x64xf32, #tpu.memory_space<vmem>>
      %dma_wait3A_79 = arith.constant 0 : i32
      %dma_wait3A_80 = tpu.memref_slice %arg9[%add3A_13, %dma_wait3A_79] : memref<10016x64xf32, #tpu.memory_space<vmem_shared>> -> memref<114x64xf32, #tpu.memory_space<vmem_shared>>
      %dma_wait3A_81 = arith.constant 0 : i32
      %dma_wait3A_82 = tpu.memref_slice %arg9[%add3A_13, %dma_wait3A_81] : memref<10016x64xf32, #tpu.memory_space<vmem_shared>> -> memref<114x64xf32, #tpu.memory_space<vmem_shared>>
      %dma_wait3A_83 = arith.constant 0 : i32
      %dma_wait3A_84 = arith.constant 0 : i32
      %dma_wait3A_85 = tpu.memref_slice %arg8[%dma_wait3A_83, %dma_wait3A_84] : memref<128x64xf32, #tpu.memory_space<vmem>> -> memref<114x64xf32, #tpu.memory_space<vmem>>
      tpu.wait_dma2 semaphore(%run_scoped3A_65 : memref<!tpu.dma_semaphore, #tpu.memory_space<semaphore_mem>>) src(%dma_wait3A_85 : memref<114x64xf32, #tpu.memory_space<vmem>>) dst(%dma_wait3A_82 : memref<114x64xf32, #tpu.memory_space<vmem_shared>>)
      tpu.yield
    }) : () -> ()
    %lt3A = arith.constant 8 : i32
    %lt3A_14 = arith.cmpi slt, %arg1, %lt3A : i32
    %convert_element_type3A = arith.extui %lt3A_14 : i1 to i32
    %cond3A = arith.constant 0 : i32
    %cond3A_15 = arith.cmpi ne, %convert_element_type3A, %cond3A : i32
    scf.if %cond3A_15 {
      %mul3A_65 = arith.constant 1250 : i32
      %mul3A_66 = arith.muli %arg1, %mul3A_65 : i32
      %mul3A_67 = arith.constant 1250 : i32
      %mul3A_68 = arith.muli %arg1, %mul3A_67 : i32
      "tpu.region"() ({
        %run_scoped3A_69 = tpu.sem_alloc : memref<!tpu.dma_semaphore, #tpu.memory_space<semaphore_mem>>
        %dma_start3A_70 = arith.constant 0 : i32
        %dma_start3A_71 = tpu.memref_slice %arg10[%mul3A_68, %dma_start3A_70] : memref<10000x64xf32, #tpu.memory_space<vmem_shared>> -> memref<1250x64xf32, #tpu.memory_space<vmem_shared>>
        %dma_start3A_72 = arith.constant 0 : i32
        %dma_start3A_73 = tpu.memref_slice %arg4[%arg0, %mul3A_66, %dma_start3A_72] : memref<2x10000x64xf32, #tpu.memory_space<hbm>> -> memref<1x1250x64xf32, #tpu.memory_space<hbm>>
        %dma_start3A_74 = tpu.memref_squeeze %dma_start3A_73 : memref<1x1250x64xf32, #tpu.memory_space<hbm>> -> memref<1250x64xf32, #tpu.memory_space<hbm>>
        tpu.enqueue_dma source(%dma_start3A_74 : memref<1250x64xf32, #tpu.memory_space<hbm>>) target(%dma_start3A_71 : memref<1250x64xf32, #tpu.memory_space<vmem_shared>>) target_semaphore(%run_scoped3A_69 : memref<!tpu.dma_semaphore, #tpu.memory_space<semaphore_mem>>)
        %dma_wait3A_75 = arith.constant 0 : i32
        %dma_wait3A_76 = tpu.memref_slice %arg10[%mul3A_68, %dma_wait3A_75] : memref<10000x64xf32, #tpu.memory_space<vmem_shared>> -> memref<1250x64xf32, #tpu.memory_space<vmem_shared>>
        %dma_wait3A_77 = arith.constant 0 : i32
        %dma_wait3A_78 = tpu.memref_slice %arg4[%arg0, %mul3A_66, %dma_wait3A_77] : memref<2x10000x64xf32, #tpu.memory_space<hbm>> -> memref<1x1250x64xf32, #tpu.memory_space<hbm>>
        %dma_wait3A_79 = tpu.memref_squeeze %dma_wait3A_78 : memref<1x1250x64xf32, #tpu.memory_space<hbm>> -> memref<1250x64xf32, #tpu.memory_space<hbm>>
        tpu.wait_dma2 semaphore(%run_scoped3A_69 : memref<!tpu.dma_semaphore, #tpu.memory_space<semaphore_mem>>) src(%dma_wait3A_79 : memref<1250x64xf32, #tpu.memory_space<hbm>>) dst(%dma_wait3A_76 : memref<1250x64xf32, #tpu.memory_space<vmem_shared>>)
        tpu.yield
      }) : () -> ()
    } else {
    }
    %barrier3A = arith.constant 0 : index
    tpu.barrier barrier_id(%barrier3A)
    %dma_start3A = arith.constant 0 : i32
    %dma_start3A_16 = arith.constant 0 : i32
    %dma_start3A_17 = arith.constant 0 : i32
    %dma_start3A_18 = tpu.memref_slice %arg8[%dma_start3A_16, %dma_start3A_17] : memref<128x64xf32, #tpu.memory_space<vmem>> -> memref<64x64xf32, #tpu.memory_space<vmem>>
    %dma_start3A_19 = arith.constant 0 : i32
    %dma_start3A_20 = tpu.memref_slice %arg7[%dma_start3A, %dma_start3A_19] : memref<320x64xi32, #tpu.memory_space<vmem>> -> memref<1x64xi32, #tpu.memory_space<vmem>>
    %dma_start3A_21 = tpu.memref_squeeze %dma_start3A_20 : memref<1x64xi32, #tpu.memory_space<vmem>> -> memref<64xi32, #tpu.memory_space<vmem>>
    %dma_start3A_22 = arith.constant 0 : i32
    %dma_start3A_23 = arith.constant 0 : i32
    %dma_start3A_24 = tpu.memref_slice %arg10[%dma_start3A_22, %dma_start3A_23] : memref<10000x64xf32, #tpu.memory_space<vmem_shared>> -> memref<10000x64xf32, #tpu.memory_space<vmem_shared>>
    tpu.enqueue_indirect_dma source(%dma_start3A_24 : memref<10000x64xf32, #tpu.memory_space<vmem_shared>>) target(%dma_start3A_18 : memref<64x64xf32, #tpu.memory_space<vmem>>) offsets(%dma_start3A_21 : memref<64xi32, #tpu.memory_space<vmem>>) semaphore(%arg11 : memref<!tpu.dma_semaphore, #tpu.memory_space<semaphore_mem>>)
    %dma_start3A_25 = arith.constant 1 : i32
    %dma_start3A_26 = arith.constant 64 : i32
    %dma_start3A_27 = arith.constant 0 : i32
    %dma_start3A_28 = tpu.memref_slice %arg8[%dma_start3A_26, %dma_start3A_27] : memref<128x64xf32, #tpu.memory_space<vmem>> -> memref<64x64xf32, #tpu.memory_space<vmem>>
    %dma_start3A_29 = arith.constant 0 : i32
    %dma_start3A_30 = tpu.memref_slice %arg7[%dma_start3A_25, %dma_start3A_29] : memref<320x64xi32, #tpu.memory_space<vmem>> -> memref<1x64xi32, #tpu.memory_space<vmem>>
    %dma_start3A_31 = tpu.memref_squeeze %dma_start3A_30 : memref<1x64xi32, #tpu.memory_space<vmem>> -> memref<64xi32, #tpu.memory_space<vmem>>
    %dma_start3A_32 = arith.constant 0 : i32
    %dma_start3A_33 = arith.constant 0 : i32
    %dma_start3A_34 = tpu.memref_slice %arg10[%dma_start3A_32, %dma_start3A_33] : memref<10000x64xf32, #tpu.memory_space<vmem_shared>> -> memref<10000x64xf32, #tpu.memory_space<vmem_shared>>
    tpu.enqueue_indirect_dma source(%dma_start3A_34 : memref<10000x64xf32, #tpu.memory_space<vmem_shared>>) target(%dma_start3A_28 : memref<64x64xf32, #tpu.memory_space<vmem>>) offsets(%dma_start3A_31 : memref<64xi32, #tpu.memory_space<vmem>>) semaphore(%arg12 : memref<!tpu.dma_semaphore, #tpu.memory_space<semaphore_mem>>)
    %scan3A_35 = arith.constant 0 : i32
    %scan3A_36 = arith.constant 159 : i32
    %scan3A_37 = arith.addi %scan3A_35, %scan3A_36 : i32
    %scan3A_38 = arith.constant 1 : i32
    scf.for %scan3A_65 = %scan3A_35 to %scan3A_37 step %scan3A_38  : i32 {
      %mul3A_66 = arith.constant 2 : i32
      %mul3A_67 = arith.muli %scan3A_65, %mul3A_66 : i32
      %add3A_68 = arith.constant 0 : i32
      %add3A_69 = arith.addi %add3A_68, %mul3A_67 : i32
      %add3A_70 = arith.constant 0 : i32
      %add3A_71 = arith.addi %add3A_69, %add3A_70 : i32
      %dma_wait3A_72 = arith.constant 0 : i32
      %dma_wait3A_73 = arith.constant 0 : i32
      %dma_wait3A_74 = tpu.memref_slice %arg8[%dma_wait3A_72, %dma_wait3A_73] : memref<128x64xf32, #tpu.memory_space<vmem>> -> memref<64x64xf32, #tpu.memory_space<vmem>>
      %dma_wait3A_75 = arith.constant 0 : i32
      %dma_wait3A_76 = tpu.memref_slice %arg7[%add3A_71, %dma_wait3A_75] : memref<320x64xi32, #tpu.memory_space<vmem>> -> memref<1x64xi32, #tpu.memory_space<vmem>>
      %dma_wait3A_77 = tpu.memref_squeeze %dma_wait3A_76 : memref<1x64xi32, #tpu.memory_space<vmem>> -> memref<64xi32, #tpu.memory_space<vmem>>
      %dma_wait3A_78 = arith.constant 0 : i32
      %dma_wait3A_79 = arith.constant 0 : i32
      %dma_wait3A_80 = tpu.memref_slice %arg10[%dma_wait3A_78, %dma_wait3A_79] : memref<10000x64xf32, #tpu.memory_space<vmem_shared>> -> memref<10000x64xf32, #tpu.memory_space<vmem_shared>>
      tpu.wait_indirect_dma semaphore(%arg11 : memref<!tpu.dma_semaphore, #tpu.memory_space<semaphore_mem>>) src(%dma_wait3A_80 : memref<10000x64xf32, #tpu.memory_space<vmem_shared>>) dst(%dma_wait3A_74 : memref<64x64xf32, #tpu.memory_space<vmem>>)
      %add3A_81 = arith.constant 0 : i32
      %add3A_82 = arith.addi %add3A_69, %add3A_81 : i32
      "tpu.region"() ({
        %run_scoped3A_122 = tpu.sem_alloc : memref<!tpu.dma_semaphore, #tpu.memory_space<semaphore_mem>>
        %dma_start3A_123 = arith.constant 0 : i32
        %dma_start3A_124 = arith.constant 0 : i32
        %dma_start3A_125 = tpu.memref_slice %arg8[%dma_start3A_123, %dma_start3A_124] : memref<128x64xf32, #tpu.memory_space<vmem>> -> memref<64x64xf32, #tpu.memory_space<vmem>>
        %dma_start3A_126 = arith.constant 0 : i32
        %dma_start3A_127 = tpu.memref_slice %arg6[%add3A_82, %dma_start3A_126] : memref<320x64xi32, #tpu.memory_space<vmem>> -> memref<1x64xi32, #tpu.memory_space<vmem>>
        %dma_start3A_128 = tpu.memref_squeeze %dma_start3A_127 : memref<1x64xi32, #tpu.memory_space<vmem>> -> memref<64xi32, #tpu.memory_space<vmem>>
        %dma_start3A_129 = arith.constant 0 : i32
        %dma_start3A_130 = arith.constant 0 : i32
        %dma_start3A_131 = tpu.memref_slice %arg9[%dma_start3A_129, %dma_start3A_130] : memref<10016x64xf32, #tpu.memory_space<vmem_shared>> -> memref<10016x64xf32, #tpu.memory_space<vmem_shared>>
        tpu.enqueue_indirect_dma source(%dma_start3A_125 : memref<64x64xf32, #tpu.memory_space<vmem>>) target(%dma_start3A_131 : memref<10016x64xf32, #tpu.memory_space<vmem_shared>>) offsets(%dma_start3A_128 : memref<64xi32, #tpu.memory_space<vmem>>) semaphore(%run_scoped3A_122 : memref<!tpu.dma_semaphore, #tpu.memory_space<semaphore_mem>>) {add = true}
        %dma_wait3A_132 = arith.constant 0 : i32
        %dma_wait3A_133 = arith.constant 0 : i32
        %dma_wait3A_134 = tpu.memref_slice %arg8[%dma_wait3A_132, %dma_wait3A_133] : memref<128x64xf32, #tpu.memory_space<vmem>> -> memref<64x64xf32, #tpu.memory_space<vmem>>
        %dma_wait3A_135 = arith.constant 0 : i32
        %dma_wait3A_136 = tpu.memref_slice %arg6[%add3A_82, %dma_wait3A_135] : memref<320x64xi32, #tpu.memory_space<vmem>> -> memref<1x64xi32, #tpu.memory_space<vmem>>
        %dma_wait3A_137 = tpu.memref_squeeze %dma_wait3A_136 : memref<1x64xi32, #tpu.memory_space<vmem>> -> memref<64xi32, #tpu.memory_space<vmem>>
        %dma_wait3A_138 = arith.constant 0 : i32
        %dma_wait3A_139 = arith.constant 0 : i32
        %dma_wait3A_140 = tpu.memref_slice %arg9[%dma_wait3A_138, %dma_wait3A_139] : memref<10016x64xf32, #tpu.memory_space<vmem_shared>> -> memref<10016x64xf32, #tpu.memory_space<vmem_shared>>
        tpu.wait_indirect_dma semaphore(%run_scoped3A_122 : memref<!tpu.dma_semaphore, #tpu.memory_space<semaphore_mem>>) src(%dma_wait3A_134 : memref<64x64xf32, #tpu.memory_space<vmem>>) dst(%dma_wait3A_140 : memref<10016x64xf32, #tpu.memory_space<vmem_shared>>)
        tpu.yield
      }) : () -> ()
      %add3A_83 = arith.constant 2 : i32
      %add3A_84 = arith.addi %add3A_69, %add3A_83 : i32
      %add3A_85 = arith.constant 0 : i32
      %add3A_86 = arith.addi %add3A_84, %add3A_85 : i32
      %dma_start3A_87 = arith.constant 0 : i32
      %dma_start3A_88 = arith.constant 0 : i32
      %dma_start3A_89 = tpu.memref_slice %arg8[%dma_start3A_87, %dma_start3A_88] : memref<128x64xf32, #tpu.memory_space<vmem>> -> memref<64x64xf32, #tpu.memory_space<vmem>>
      %dma_start3A_90 = arith.constant 0 : i32
      %dma_start3A_91 = tpu.memref_slice %arg7[%add3A_86, %dma_start3A_90] : memref<320x64xi32, #tpu.memory_space<vmem>> -> memref<1x64xi32, #tpu.memory_space<vmem>>
      %dma_start3A_92 = tpu.memref_squeeze %dma_start3A_91 : memref<1x64xi32, #tpu.memory_space<vmem>> -> memref<64xi32, #tpu.memory_space<vmem>>
      %dma_start3A_93 = arith.constant 0 : i32
      %dma_start3A_94 = arith.constant 0 : i32
      %dma_start3A_95 = tpu.memref_slice %arg10[%dma_start3A_93, %dma_start3A_94] : memref<10000x64xf32, #tpu.memory_space<vmem_shared>> -> memref<10000x64xf32, #tpu.memory_space<vmem_shared>>
      tpu.enqueue_indirect_dma source(%dma_start3A_95 : memref<10000x64xf32, #tpu.memory_space<vmem_shared>>) target(%dma_start3A_89 : memref<64x64xf32, #tpu.memory_space<vmem>>) offsets(%dma_start3A_92 : memref<64xi32, #tpu.memory_space<vmem>>) semaphore(%arg11 : memref<!tpu.dma_semaphore, #tpu.memory_space<semaphore_mem>>)
      %add3A_96 = arith.constant 1 : i32
      %add3A_97 = arith.addi %add3A_69, %add3A_96 : i32
      %dma_wait3A_98 = arith.constant 64 : i32
      %dma_wait3A_99 = arith.constant 0 : i32
      %dma_wait3A_100 = tpu.memref_slice %arg8[%dma_wait3A_98, %dma_wait3A_99] : memref<128x64xf32, #tpu.memory_space<vmem>> -> memref<64x64xf32, #tpu.memory_space<vmem>>
      %dma_wait3A_101 = arith.constant 0 : i32
      %dma_wait3A_102 = tpu.memref_slice %arg7[%add3A_97, %dma_wait3A_101] : memref<320x64xi32, #tpu.memory_space<vmem>> -> memref<1x64xi32, #tpu.memory_space<vmem>>
      %dma_wait3A_103 = tpu.memref_squeeze %dma_wait3A_102 : memref<1x64xi32, #tpu.memory_space<vmem>> -> memref<64xi32, #tpu.memory_space<vmem>>
      %dma_wait3A_104 = arith.constant 0 : i32
      %dma_wait3A_105 = arith.constant 0 : i32
      %dma_wait3A_106 = tpu.memref_slice %arg10[%dma_wait3A_104, %dma_wait3A_105] : memref<10000x64xf32, #tpu.memory_space<vmem_shared>> -> memref<10000x64xf32, #tpu.memory_space<vmem_shared>>
      tpu.wait_indirect_dma semaphore(%arg12 : memref<!tpu.dma_semaphore, #tpu.memory_space<semaphore_mem>>) src(%dma_wait3A_106 : memref<10000x64xf32, #tpu.memory_space<vmem_shared>>) dst(%dma_wait3A_100 : memref<64x64xf32, #tpu.memory_space<vmem>>)
      %add3A_107 = arith.constant 1 : i32
      %add3A_108 = arith.addi %add3A_69, %add3A_107 : i32
      "tpu.region"() ({
        %run_scoped3A_122 = tpu.sem_alloc : memref<!tpu.dma_semaphore, #tpu.memory_space<semaphore_mem>>
        %dma_start3A_123 = arith.constant 64 : i32
        %dma_start3A_124 = arith.constant 0 : i32
        %dma_start3A_125 = tpu.memref_slice %arg8[%dma_start3A_123, %dma_start3A_124] : memref<128x64xf32, #tpu.memory_space<vmem>> -> memref<64x64xf32, #tpu.memory_space<vmem>>
        %dma_start3A_126 = arith.constant 0 : i32
        %dma_start3A_127 = tpu.memref_slice %arg6[%add3A_108, %dma_start3A_126] : memref<320x64xi32, #tpu.memory_space<vmem>> -> memref<1x64xi32, #tpu.memory_space<vmem>>
        %dma_start3A_128 = tpu.memref_squeeze %dma_start3A_127 : memref<1x64xi32, #tpu.memory_space<vmem>> -> memref<64xi32, #tpu.memory_space<vmem>>
        %dma_start3A_129 = arith.constant 0 : i32
        %dma_start3A_130 = arith.constant 0 : i32
        %dma_start3A_131 = tpu.memref_slice %arg9[%dma_start3A_129, %dma_start3A_130] : memref<10016x64xf32, #tpu.memory_space<vmem_shared>> -> memref<10016x64xf32, #tpu.memory_space<vmem_shared>>
        tpu.enqueue_indirect_dma source(%dma_start3A_125 : memref<64x64xf32, #tpu.memory_space<vmem>>) target(%dma_start3A_131 : memref<10016x64xf32, #tpu.memory_space<vmem_shared>>) offsets(%dma_start3A_128 : memref<64xi32, #tpu.memory_space<vmem>>) semaphore(%run_scoped3A_122 : memref<!tpu.dma_semaphore, #tpu.memory_space<semaphore_mem>>) {add = true}
        %dma_wait3A_132 = arith.constant 64 : i32
        %dma_wait3A_133 = arith.constant 0 : i32
        %dma_wait3A_134 = tpu.memref_slice %arg8[%dma_wait3A_132, %dma_wait3A_133] : memref<128x64xf32, #tpu.memory_space<vmem>> -> memref<64x64xf32, #tpu.memory_space<vmem>>
        %dma_wait3A_135 = arith.constant 0 : i32
        %dma_wait3A_136 = tpu.memref_slice %arg6[%add3A_108, %dma_wait3A_135] : memref<320x64xi32, #tpu.memory_space<vmem>> -> memref<1x64xi32, #tpu.memory_space<vmem>>
        %dma_wait3A_137 = tpu.memref_squeeze %dma_wait3A_136 : memref<1x64xi32, #tpu.memory_space<vmem>> -> memref<64xi32, #tpu.memory_space<vmem>>
        %dma_wait3A_138 = arith.constant 0 : i32
        %dma_wait3A_139 = arith.constant 0 : i32
        %dma_wait3A_140 = tpu.memref_slice %arg9[%dma_wait3A_138, %dma_wait3A_139] : memref<10016x64xf32, #tpu.memory_space<vmem_shared>> -> memref<10016x64xf32, #tpu.memory_space<vmem_shared>>
        tpu.wait_indirect_dma semaphore(%run_scoped3A_122 : memref<!tpu.dma_semaphore, #tpu.memory_space<semaphore_mem>>) src(%dma_wait3A_134 : memref<64x64xf32, #tpu.memory_space<vmem>>) dst(%dma_wait3A_140 : memref<10016x64xf32, #tpu.memory_space<vmem_shared>>)
        tpu.yield
      }) : () -> ()
      %add3A_109 = arith.constant 2 : i32
      %add3A_110 = arith.addi %add3A_69, %add3A_109 : i32
      %add3A_111 = arith.constant 1 : i32
      %add3A_112 = arith.addi %add3A_110, %add3A_111 : i32
      %dma_start3A_113 = arith.constant 64 : i32
      %dma_start3A_114 = arith.constant 0 : i32
      %dma_start3A_115 = tpu.memref_slice %arg8[%dma_start3A_113, %dma_start3A_114] : memref<128x64xf32, #tpu.memory_space<vmem>> -> memref<64x64xf32, #tpu.memory_space<vmem>>
      %dma_start3A_116 = arith.constant 0 : i32
      %dma_start3A_117 = tpu.memref_slice %arg7[%add3A_112, %dma_start3A_116] : memref<320x64xi32, #tpu.memory_space<vmem>> -> memref<1x64xi32, #tpu.memory_space<vmem>>
      %dma_start3A_118 = tpu.memref_squeeze %dma_start3A_117 : memref<1x64xi32, #tpu.memory_space<vmem>> -> memref<64xi32, #tpu.memory_space<vmem>>
      %dma_start3A_119 = arith.constant 0 : i32
      %dma_start3A_120 = arith.constant 0 : i32
      %dma_start3A_121 = tpu.memref_slice %arg10[%dma_start3A_119, %dma_start3A_120] : memref<10000x64xf32, #tpu.memory_space<vmem_shared>> -> memref<10000x64xf32, #tpu.memory_space<vmem_shared>>
      tpu.enqueue_indirect_dma source(%dma_start3A_121 : memref<10000x64xf32, #tpu.memory_space<vmem_shared>>) target(%dma_start3A_115 : memref<64x64xf32, #tpu.memory_space<vmem>>) offsets(%dma_start3A_118 : memref<64xi32, #tpu.memory_space<vmem>>) semaphore(%arg12 : memref<!tpu.dma_semaphore, #tpu.memory_space<semaphore_mem>>)
    }
    %scan3A_39 = arith.constant 159 : i32
    %dma_wait3A = arith.constant 318 : i32
    %dma_wait3A_40 = arith.constant 0 : i32
    %dma_wait3A_41 = arith.constant 0 : i32
    %dma_wait3A_42 = tpu.memref_slice %arg8[%dma_wait3A_40, %dma_wait3A_41] : memref<128x64xf32, #tpu.memory_space<vmem>> -> memref<64x64xf32, #tpu.memory_space<vmem>>
    %dma_wait3A_43 = arith.constant 0 : i32
    %dma_wait3A_44 = tpu.memref_slice %arg7[%dma_wait3A, %dma_wait3A_43] : memref<320x64xi32, #tpu.memory_space<vmem>> -> memref<1x64xi32, #tpu.memory_space<vmem>>
    %dma_wait3A_45 = tpu.memref_squeeze %dma_wait3A_44 : memref<1x64xi32, #tpu.memory_space<vmem>> -> memref<64xi32, #tpu.memory_space<vmem>>
    %dma_wait3A_46 = arith.constant 0 : i32
    %dma_wait3A_47 = arith.constant 0 : i32
    %dma_wait3A_48 = tpu.memref_slice %arg10[%dma_wait3A_46, %dma_wait3A_47] : memref<10000x64xf32, #tpu.memory_space<vmem_shared>> -> memref<10000x64xf32, #tpu.memory_space<vmem_shared>>
    tpu.wait_indirect_dma semaphore(%arg11 : memref<!tpu.dma_semaphore, #tpu.memory_space<semaphore_mem>>) src(%dma_wait3A_48 : memref<10000x64xf32, #tpu.memory_space<vmem_shared>>) dst(%dma_wait3A_42 : memref<64x64xf32, #tpu.memory_space<vmem>>)
    %run_scoped3A = arith.constant 318 : i32
    "tpu.region"() ({
      %run_scoped3A_65 = tpu.sem_alloc : memref<!tpu.dma_semaphore, #tpu.memory_space<semaphore_mem>>
      %dma_start3A_66 = arith.constant 0 : i32
      %dma_start3A_67 = arith.constant 0 : i32
      %dma_start3A_68 = tpu.memref_slice %arg8[%dma_start3A_66, %dma_start3A_67] : memref<128x64xf32, #tpu.memory_space<vmem>> -> memref<64x64xf32, #tpu.memory_space<vmem>>
      %dma_start3A_69 = arith.constant 0 : i32
      %dma_start3A_70 = tpu.memref_slice %arg6[%run_scoped3A, %dma_start3A_69] : memref<320x64xi32, #tpu.memory_space<vmem>> -> memref<1x64xi32, #tpu.memory_space<vmem>>
      %dma_start3A_71 = tpu.memref_squeeze %dma_start3A_70 : memref<1x64xi32, #tpu.memory_space<vmem>> -> memref<64xi32, #tpu.memory_space<vmem>>
      %dma_start3A_72 = arith.constant 0 : i32
      %dma_start3A_73 = arith.constant 0 : i32
      %dma_start3A_74 = tpu.memref_slice %arg9[%dma_start3A_72, %dma_start3A_73] : memref<10016x64xf32, #tpu.memory_space<vmem_shared>> -> memref<10016x64xf32, #tpu.memory_space<vmem_shared>>
      tpu.enqueue_indirect_dma source(%dma_start3A_68 : memref<64x64xf32, #tpu.memory_space<vmem>>) target(%dma_start3A_74 : memref<10016x64xf32, #tpu.memory_space<vmem_shared>>) offsets(%dma_start3A_71 : memref<64xi32, #tpu.memory_space<vmem>>) semaphore(%run_scoped3A_65 : memref<!tpu.dma_semaphore, #tpu.memory_space<semaphore_mem>>) {add = true}
      %dma_wait3A_75 = arith.constant 0 : i32
      %dma_wait3A_76 = arith.constant 0 : i32
      %dma_wait3A_77 = tpu.memref_slice %arg8[%dma_wait3A_75, %dma_wait3A_76] : memref<128x64xf32, #tpu.memory_space<vmem>> -> memref<64x64xf32, #tpu.memory_space<vmem>>
      %dma_wait3A_78 = arith.constant 0 : i32
      %dma_wait3A_79 = tpu.memref_slice %arg6[%run_scoped3A, %dma_wait3A_78] : memref<320x64xi32, #tpu.memory_space<vmem>> -> memref<1x64xi32, #tpu.memory_space<vmem>>
      %dma_wait3A_80 = tpu.memref_squeeze %dma_wait3A_79 : memref<1x64xi32, #tpu.memory_space<vmem>> -> memref<64xi32, #tpu.memory_space<vmem>>
      %dma_wait3A_81 = arith.constant 0 : i32
      %dma_wait3A_82 = arith.constant 0 : i32
      %dma_wait3A_83 = tpu.memref_slice %arg9[%dma_wait3A_81, %dma_wait3A_82] : memref<10016x64xf32, #tpu.memory_space<vmem_shared>> -> memref<10016x64xf32, #tpu.memory_space<vmem_shared>>
      tpu.wait_indirect_dma semaphore(%run_scoped3A_65 : memref<!tpu.dma_semaphore, #tpu.memory_space<semaphore_mem>>) src(%dma_wait3A_77 : memref<64x64xf32, #tpu.memory_space<vmem>>) dst(%dma_wait3A_83 : memref<10016x64xf32, #tpu.memory_space<vmem_shared>>)
      tpu.yield
    }) : () -> ()
    %dma_wait3A_49 = arith.constant 319 : i32
    %dma_wait3A_50 = arith.constant 64 : i32
    %dma_wait3A_51 = arith.constant 0 : i32
    %dma_wait3A_52 = tpu.memref_slice %arg8[%dma_wait3A_50, %dma_wait3A_51] : memref<128x64xf32, #tpu.memory_space<vmem>> -> memref<64x64xf32, #tpu.memory_space<vmem>>
    %dma_wait3A_53 = arith.constant 0 : i32
    %dma_wait3A_54 = tpu.memref_slice %arg7[%dma_wait3A_49, %dma_wait3A_53] : memref<320x64xi32, #tpu.memory_space<vmem>> -> memref<1x64xi32, #tpu.memory_space<vmem>>
    %dma_wait3A_55 = tpu.memref_squeeze %dma_wait3A_54 : memref<1x64xi32, #tpu.memory_space<vmem>> -> memref<64xi32, #tpu.memory_space<vmem>>
    %dma_wait3A_56 = arith.constant 0 : i32
    %dma_wait3A_57 = arith.constant 0 : i32
    %dma_wait3A_58 = tpu.memref_slice %arg10[%dma_wait3A_56, %dma_wait3A_57] : memref<10000x64xf32, #tpu.memory_space<vmem_shared>> -> memref<10000x64xf32, #tpu.memory_space<vmem_shared>>
    tpu.wait_indirect_dma semaphore(%arg12 : memref<!tpu.dma_semaphore, #tpu.memory_space<semaphore_mem>>) src(%dma_wait3A_58 : memref<10000x64xf32, #tpu.memory_space<vmem_shared>>) dst(%dma_wait3A_52 : memref<64x64xf32, #tpu.memory_space<vmem>>)
    %run_scoped3A_59 = arith.constant 319 : i32
    "tpu.region"() ({
      %run_scoped3A_65 = tpu.sem_alloc : memref<!tpu.dma_semaphore, #tpu.memory_space<semaphore_mem>>
      %dma_start3A_66 = arith.constant 64 : i32
      %dma_start3A_67 = arith.constant 0 : i32
      %dma_start3A_68 = tpu.memref_slice %arg8[%dma_start3A_66, %dma_start3A_67] : memref<128x64xf32, #tpu.memory_space<vmem>> -> memref<64x64xf32, #tpu.memory_space<vmem>>
      %dma_start3A_69 = arith.constant 0 : i32
      %dma_start3A_70 = tpu.memref_slice %arg6[%run_scoped3A_59, %dma_start3A_69] : memref<320x64xi32, #tpu.memory_space<vmem>> -> memref<1x64xi32, #tpu.memory_space<vmem>>
      %dma_start3A_71 = tpu.memref_squeeze %dma_start3A_70 : memref<1x64xi32, #tpu.memory_space<vmem>> -> memref<64xi32, #tpu.memory_space<vmem>>
      %dma_start3A_72 = arith.constant 0 : i32
      %dma_start3A_73 = arith.constant 0 : i32
      %dma_start3A_74 = tpu.memref_slice %arg9[%dma_start3A_72, %dma_start3A_73] : memref<10016x64xf32, #tpu.memory_space<vmem_shared>> -> memref<10016x64xf32, #tpu.memory_space<vmem_shared>>
      tpu.enqueue_indirect_dma source(%dma_start3A_68 : memref<64x64xf32, #tpu.memory_space<vmem>>) target(%dma_start3A_74 : memref<10016x64xf32, #tpu.memory_space<vmem_shared>>) offsets(%dma_start3A_71 : memref<64xi32, #tpu.memory_space<vmem>>) semaphore(%run_scoped3A_65 : memref<!tpu.dma_semaphore, #tpu.memory_space<semaphore_mem>>) {add = true}
      %dma_wait3A_75 = arith.constant 64 : i32
      %dma_wait3A_76 = arith.constant 0 : i32
      %dma_wait3A_77 = tpu.memref_slice %arg8[%dma_wait3A_75, %dma_wait3A_76] : memref<128x64xf32, #tpu.memory_space<vmem>> -> memref<64x64xf32, #tpu.memory_space<vmem>>
      %dma_wait3A_78 = arith.constant 0 : i32
      %dma_wait3A_79 = tpu.memref_slice %arg6[%run_scoped3A_59, %dma_wait3A_78] : memref<320x64xi32, #tpu.memory_space<vmem>> -> memref<1x64xi32, #tpu.memory_space<vmem>>
      %dma_wait3A_80 = tpu.memref_squeeze %dma_wait3A_79 : memref<1x64xi32, #tpu.memory_space<vmem>> -> memref<64xi32, #tpu.memory_space<vmem>>
      %dma_wait3A_81 = arith.constant 0 : i32
      %dma_wait3A_82 = arith.constant 0 : i32
      %dma_wait3A_83 = tpu.memref_slice %arg9[%dma_wait3A_81, %dma_wait3A_82] : memref<10016x64xf32, #tpu.memory_space<vmem_shared>> -> memref<10016x64xf32, #tpu.memory_space<vmem_shared>>
      tpu.wait_indirect_dma semaphore(%run_scoped3A_65 : memref<!tpu.dma_semaphore, #tpu.memory_space<semaphore_mem>>) src(%dma_wait3A_77 : memref<64x64xf32, #tpu.memory_space<vmem>>) dst(%dma_wait3A_83 : memref<10016x64xf32, #tpu.memory_space<vmem_shared>>)
      tpu.yield
    }) : () -> ()
    %barrier3A_60 = arith.constant 0 : index
    tpu.barrier barrier_id(%barrier3A_60)
    %mul3A_61 = arith.constant 626 : i32
    %mul3A_62 = arith.muli %arg1, %mul3A_61 : i32
    %mul3A_63 = arith.constant 626 : i32
    %mul3A_64 = arith.muli %arg1, %mul3A_63 : i32
    "tpu.region"() ({
      %run_scoped3A_65 = tpu.sem_alloc : memref<!tpu.dma_semaphore, #tpu.memory_space<semaphore_mem>>
      %dma_start3A_66 = arith.constant 0 : i32
      %dma_start3A_67 = tpu.memref_slice %arg5[%arg0, %mul3A_64, %dma_start3A_66] : memref<2x10016x64xf32, #tpu.memory_space<hbm>> -> memref<1x626x64xf32, #tpu.memory_space<hbm>>
      %dma_start3A_68 = tpu.memref_squeeze %dma_start3A_67 : memref<1x626x64xf32, #tpu.memory_space<hbm>> -> memref<626x64xf32, #tpu.memory_space<hbm>>
      %dma_start3A_69 = arith.constant 0 : i32
      %dma_start3A_70 = tpu.memref_slice %arg9[%mul3A_62, %dma_start3A_69] : memref<10016x64xf32, #tpu.memory_space<vmem_shared>> -> memref<626x64xf32, #tpu.memory_space<vmem_shared>>
      tpu.enqueue_dma source(%dma_start3A_70 : memref<626x64xf32, #tpu.memory_space<vmem_shared>>) target(%dma_start3A_68 : memref<626x64xf32, #tpu.memory_space<hbm>>) target_semaphore(%run_scoped3A_65 : memref<!tpu.dma_semaphore, #tpu.memory_space<semaphore_mem>>)
      %dma_wait3A_71 = arith.constant 0 : i32
      %dma_wait3A_72 = tpu.memref_slice %arg5[%arg0, %mul3A_64, %dma_wait3A_71] : memref<2x10016x64xf32, #tpu.memory_space<hbm>> -> memref<1x626x64xf32, #tpu.memory_space<hbm>>
      %dma_wait3A_73 = tpu.memref_squeeze %dma_wait3A_72 : memref<1x626x64xf32, #tpu.memory_space<hbm>> -> memref<626x64xf32, #tpu.memory_space<hbm>>
      %dma_wait3A_74 = arith.constant 0 : i32
      %dma_wait3A_75 = tpu.memref_slice %arg9[%mul3A_62, %dma_wait3A_74] : memref<10016x64xf32, #tpu.memory_space<vmem_shared>> -> memref<626x64xf32, #tpu.memory_space<vmem_shared>>
      tpu.wait_dma2 semaphore(%run_scoped3A_65 : memref<!tpu.dma_semaphore, #tpu.memory_space<semaphore_mem>>) src(%dma_wait3A_75 : memref<626x64xf32, #tpu.memory_space<vmem_shared>>) dst(%dma_wait3A_73 : memref<626x64xf32, #tpu.memory_space<hbm>>)
      tpu.yield
    }) : () -> ()
    return
  }
}

module attributes {stable_mosaic.version = 14 : i64} {
  func.func @_tc_norm_body(%arg0: memref<10000x128xf32, #tpu.memory_space<vmem>>, %arg1: memref<10000x128xf32, #tpu.memory_space<vmem>>) attributes {dimension_semantics = [], scalar_prefetch = 0 : i64, scratch_operands = 0 : i64, tpu.core_type = #tpu.core_type<tc>} {
    %get3A = arith.constant 0 : index
    %get3A_0 = arith.constant 0 : index
    %get3A_1 = vector.load %arg0[%get3A, %get3A_0] : memref<10000x128xf32, #tpu.memory_space<vmem>>, vector<10000x128xf32>
    %reduce_sum3A = arith.constant dense<0.000000e+00> : vector<128xf32>
    %reduce_sum3A_2 = vector.multi_reduction <add>, %get3A_1, %reduce_sum3A [0] : vector<10000x128xf32> to vector<128xf32>
    %broadcast_in_dim3A = vector.shape_cast %reduce_sum3A_2 : vector<128xf32> to vector<1x128xf32>
    %div3A = arith.constant 1.000000e+04 : f32
    %div3A_3 = vector.broadcast %div3A : f32 to vector<1x128xf32>
    %div3A_4 = arith.divf %broadcast_in_dim3A, %div3A_3 : vector<1x128xf32>
    %sub3A = vector.broadcast %div3A_4 : vector<1x128xf32> to vector<10000x128xf32>
    %sub3A_5 = arith.subf %get3A_1, %sub3A : vector<10000x128xf32>
    %mul3A = arith.mulf %sub3A_5, %sub3A_5 : vector<10000x128xf32>
    %reduce_sum3A_6 = arith.constant dense<0.000000e+00> : vector<128xf32>
    %reduce_sum3A_7 = vector.multi_reduction <add>, %mul3A, %reduce_sum3A_6 [0] : vector<10000x128xf32> to vector<128xf32>
    %broadcast_in_dim3A_8 = vector.shape_cast %reduce_sum3A_7 : vector<128xf32> to vector<1x128xf32>
    %div3A_9 = arith.constant 9.999000e+03 : f32
    %div3A_10 = vector.broadcast %div3A_9 : f32 to vector<1x128xf32>
    %div3A_11 = arith.divf %broadcast_in_dim3A_8, %div3A_10 : vector<1x128xf32>
    %sqrt3A = math.sqrt %div3A_11 : vector<1x128xf32>
    %eq3A = arith.constant 0.000000e+00 : f32
    %eq3A_12 = vector.broadcast %eq3A : f32 to vector<1x128xf32>
    %eq3A_13 = arith.cmpf oeq, %sqrt3A, %eq3A_12 : vector<1x128xf32>
    %jit3A = arith.constant 1.000000e+00 : f32
    %broadcast_in_dim3A_14 = vector.broadcast %jit3A : f32 to vector<1x128xf32>
    %select_n3A = arith.select %eq3A_13, %broadcast_in_dim3A_14, %sqrt3A : vector<1x128xi1>, vector<1x128xf32>
    %div3A_15 = vector.broadcast %select_n3A : vector<1x128xf32> to vector<10000x128xf32>
    %div3A_16 = arith.divf %sub3A_5, %div3A_15 : vector<10000x128xf32>
    %swap3A = arith.constant 0 : index
    %swap3A_17 = arith.constant 0 : index
    %swap3A_18 = vector.load %arg1[%swap3A, %swap3A_17] : memref<10000x128xf32, #tpu.memory_space<vmem>>, vector<10000x128xf32>
    tpu.vector_store %arg1[%swap3A, %swap3A_17], %div3A_16 {strides = array<i32>} : memref<10000x128xf32, #tpu.memory_space<vmem>>, vector<10000x128xf32>,
    return
  }
}

module attributes {stable_mosaic.version = 14 : i64} {
  func.func @_tc_scale_body(%arg0: memref<10000x128xf32, #tpu.memory_space<vmem>>, %arg1: memref<2x10240x16xf32, #tpu.memory_space<vmem>>, %arg2: memref<2x10000x64xf32, #tpu.memory_space<vmem>>) attributes {dimension_semantics = [], scalar_prefetch = 0 : i64, scratch_operands = 0 : i64, tpu.core_type = #tpu.core_type<tc>} {
    %get3A = arith.constant 0 : index
    %get3A_0 = arith.constant 0 : index
    %get3A_1 = arith.constant 0 : index
    %get3A_2 = vector.load %arg1[%get3A, %get3A_0, %get3A_1] : memref<2x10240x16xf32, #tpu.memory_space<vmem>>, vector<2x10240x16xf32>
    %slice3A = vector.extract_strided_slice %get3A_2 {offsets = [0, 0, 0], sizes = [1, 10240, 16], strides = [1, 1, 1]} : vector<2x10240x16xf32> to vector<1x10240x16xf32>
    %squeeze3A = vector.shape_cast %slice3A : vector<1x10240x16xf32> to vector<10240x16xf32>
    %slice3A_3 = vector.extract_strided_slice %get3A_2 {offsets = [1, 0, 0], sizes = [1, 10240, 16], strides = [1, 1, 1]} : vector<2x10240x16xf32> to vector<1x10240x16xf32>
    %squeeze3A_4 = vector.shape_cast %slice3A_3 : vector<1x10240x16xf32> to vector<10240x16xf32>
    %add3A = arith.addf %squeeze3A, %squeeze3A_4 : vector<10240x16xf32>
    %slice3A_5 = vector.extract_strided_slice %add3A {offsets = [0, 0], sizes = [10000, 1], strides = [1, 1]} : vector<10240x16xf32> to vector<10000x1xf32>
    %add3A_6 = arith.constant 2.000000e+00 : f32
    %add3A_7 = vector.broadcast %add3A_6 : f32 to vector<10000x1xf32>
    %add3A_8 = arith.addf %slice3A_5, %add3A_7 : vector<10000x1xf32>
    %rsqrt3A = math.rsqrt %add3A_8 : vector<10000x1xf32>
    %get3A_9 = arith.constant 0 : index
    %get3A_10 = arith.constant 0 : index
    %get3A_11 = vector.load %arg0[%get3A_9, %get3A_10] : memref<10000x128xf32, #tpu.memory_space<vmem>>, vector<10000x128xf32>
    %mul3A = vector.broadcast %rsqrt3A : vector<10000x1xf32> to vector<10000x128xf32>
    %mul3A_12 = arith.mulf %mul3A, %get3A_11 : vector<10000x128xf32>
    %slice3A_13 = vector.extract_strided_slice %mul3A_12 {offsets = [0, 0], sizes = [10000, 64], strides = [1, 1]} : vector<10000x128xf32> to vector<10000x64xf32>
    %swap3A = arith.constant 0 : index
    %swap3A_14 = arith.constant 0 : index
    %swap3A_15 = arith.constant 0 : index
    %swap3A_16 = vector.load %arg2[%swap3A, %swap3A_14, %swap3A_15] : memref<2x10000x64xf32, #tpu.memory_space<vmem>>, vector<1x10000x64xf32>
    %swap3A_17 = vector.shape_cast %swap3A_16 : vector<1x10000x64xf32> to vector<10000x64xf32>
    %swap3A_18 = vector.shape_cast %slice3A_13 : vector<10000x64xf32> to vector<1x10000x64xf32>
    tpu.vector_store %arg2[%swap3A, %swap3A_14, %swap3A_15], %swap3A_18 {strides = array<i32>} : memref<2x10000x64xf32, #tpu.memory_space<vmem>>, vector<1x10000x64xf32>,
    %slice3A_19 = vector.extract_strided_slice %mul3A_12 {offsets = [0, 64], sizes = [10000, 64], strides = [1, 1]} : vector<10000x128xf32> to vector<10000x64xf32>
    %swap3A_20 = arith.constant 1 : index
    %swap3A_21 = arith.constant 0 : index
    %swap3A_22 = arith.constant 0 : index
    %swap3A_23 = vector.load %arg2[%swap3A_20, %swap3A_21, %swap3A_22] : memref<2x10000x64xf32, #tpu.memory_space<vmem>>, vector<1x10000x64xf32>
    %swap3A_24 = vector.shape_cast %swap3A_23 : vector<1x10000x64xf32> to vector<10000x64xf32>
    %swap3A_25 = vector.shape_cast %slice3A_19 : vector<10000x64xf32> to vector<1x10000x64xf32>
    tpu.vector_store %arg2[%swap3A_20, %swap3A_21, %swap3A_22], %swap3A_25 {strides = array<i32>} : memref<2x10000x64xf32, #tpu.memory_space<vmem>>, vector<1x10000x64xf32>,
    return
  }
}

module attributes {stable_mosaic.version = 14 : i64} {
  func.func @_tc_final_body(%arg0: memref<2x10016x64xf32, #tpu.memory_space<vmem>>, %arg1: memref<2x10000x64xf32, #tpu.memory_space<vmem>>, %arg2: memref<2x10240x16xf32, #tpu.memory_space<vmem>>, %arg3: memref<10000x128xf32, #tpu.memory_space<vmem>>) attributes {dimension_semantics = [], scalar_prefetch = 0 : i64, scratch_operands = 0 : i64, tpu.core_type = #tpu.core_type<tc>} {
    %get3A = arith.constant 0 : index
    %get3A_0 = arith.constant 0 : index
    %get3A_1 = arith.constant 0 : index
    %get3A_2 = vector.load %arg0[%get3A, %get3A_0, %get3A_1] : memref<2x10016x64xf32, #tpu.memory_space<vmem>>, vector<2x10016x64xf32>
    %get3A_3 = arith.constant 0 : index
    %get3A_4 = arith.constant 0 : index
    %get3A_5 = arith.constant 0 : index
    %get3A_6 = vector.load %arg1[%get3A_3, %get3A_4, %get3A_5] : memref<2x10000x64xf32, #tpu.memory_space<vmem>>, vector<2x10000x64xf32>
    %get3A_7 = arith.constant 0 : index
    %get3A_8 = arith.constant 0 : index
    %get3A_9 = arith.constant 0 : index
    %get3A_10 = vector.load %arg2[%get3A_7, %get3A_8, %get3A_9] : memref<2x10240x16xf32, #tpu.memory_space<vmem>>, vector<2x10240x16xf32>
    %slice3A = vector.extract_strided_slice %get3A_10 {offsets = [0, 0, 0], sizes = [1, 10240, 16], strides = [1, 1, 1]} : vector<2x10240x16xf32> to vector<1x10240x16xf32>
    %squeeze3A = vector.shape_cast %slice3A : vector<1x10240x16xf32> to vector<10240x16xf32>
    %slice3A_11 = vector.extract_strided_slice %get3A_10 {offsets = [1, 0, 0], sizes = [1, 10240, 16], strides = [1, 1, 1]} : vector<2x10240x16xf32> to vector<1x10240x16xf32>
    %squeeze3A_12 = vector.shape_cast %slice3A_11 : vector<1x10240x16xf32> to vector<10240x16xf32>
    %add3A = arith.addf %squeeze3A, %squeeze3A_12 : vector<10240x16xf32>
    %slice3A_13 = vector.extract_strided_slice %add3A {offsets = [0, 0], sizes = [10000, 1], strides = [1, 1]} : vector<10240x16xf32> to vector<10000x1xf32>
    %add3A_14 = arith.constant 2.000000e+00 : f32
    %add3A_15 = vector.broadcast %add3A_14 : f32 to vector<10000x1xf32>
    %add3A_16 = arith.addf %slice3A_13, %add3A_15 : vector<10000x1xf32>
    %rsqrt3A = math.rsqrt %add3A_16 : vector<10000x1xf32>
    %slice3A_17 = vector.extract_strided_slice %get3A_2 {offsets = [0, 0, 0], sizes = [1, 10000, 64], strides = [1, 1, 1]} : vector<2x10016x64xf32> to vector<1x10000x64xf32>
    %squeeze3A_18 = vector.shape_cast %slice3A_17 : vector<1x10000x64xf32> to vector<10000x64xf32>
    %slice3A_19 = vector.extract_strided_slice %get3A_6 {offsets = [0, 0, 0], sizes = [1, 10000, 64], strides = [1, 1, 1]} : vector<2x10000x64xf32> to vector<1x10000x64xf32>
    %squeeze3A_20 = vector.shape_cast %slice3A_19 : vector<1x10000x64xf32> to vector<10000x64xf32>
    %mul3A = arith.constant 2.000000e+00 : f32
    %mul3A_21 = vector.broadcast %mul3A : f32 to vector<10000x64xf32>
    %mul3A_22 = arith.mulf %mul3A_21, %squeeze3A_20 : vector<10000x64xf32>
    %add3A_23 = arith.addf %squeeze3A_18, %mul3A_22 : vector<10000x64xf32>
    %mul3A_24 = vector.broadcast %rsqrt3A : vector<10000x1xf32> to vector<10000x64xf32>
    %mul3A_25 = arith.mulf %mul3A_24, %add3A_23 : vector<10000x64xf32>
    %slice3A_26 = vector.extract_strided_slice %get3A_2 {offsets = [1, 0, 0], sizes = [1, 10000, 64], strides = [1, 1, 1]} : vector<2x10016x64xf32> to vector<1x10000x64xf32>
    %squeeze3A_27 = vector.shape_cast %slice3A_26 : vector<1x10000x64xf32> to vector<10000x64xf32>
    %slice3A_28 = vector.extract_strided_slice %get3A_6 {offsets = [1, 0, 0], sizes = [1, 10000, 64], strides = [1, 1, 1]} : vector<2x10000x64xf32> to vector<1x10000x64xf32>
    %squeeze3A_29 = vector.shape_cast %slice3A_28 : vector<1x10000x64xf32> to vector<10000x64xf32>
    %mul3A_30 = arith.constant 2.000000e+00 : f32
    %mul3A_31 = vector.broadcast %mul3A_30 : f32 to vector<10000x64xf32>
    %mul3A_32 = arith.mulf %mul3A_31, %squeeze3A_29 : vector<10000x64xf32>
    %add3A_33 = arith.addf %squeeze3A_27, %mul3A_32 : vector<10000x64xf32>
    %mul3A_34 = vector.broadcast %rsqrt3A : vector<10000x1xf32> to vector<10000x64xf32>
    %mul3A_35 = arith.mulf %mul3A_34, %add3A_33 : vector<10000x64xf32>
    %concatenate3A = tpu.concatenate %mul3A_25, %mul3A_35 in 1 : vector<10000x64xf32>, vector<10000x64xf32> -> vector<10000x128xf32>
    %swap3A = arith.constant 0 : index
    %swap3A_36 = arith.constant 0 : index
    %swap3A_37 = vector.load %arg3[%swap3A, %swap3A_36] : memref<10000x128xf32, #tpu.memory_space<vmem>>, vector<10000x128xf32>
    tpu.vector_store %arg3[%swap3A, %swap3A_36], %concatenate3A {strides = array<i32>} : memref<10000x128xf32, #tpu.memory_space<vmem>>, vector<10000x128xf32>,
    return
  }
}

</mosaic_0001>

<sc_bundles>
// kernel: kernel.10.cloned.1.call-start
scs
__scs_entry_jumppad:
0x0: {  	(pc) =	sbr.rel $0x88, $3  }
0x1: {  	(tag) =	ssettag $0x0;
	lr =	simm.s32 $0x1  }
0x2: {  	[smem:$0x3F9F] =	sst lr;
	_ =	strace $0xD0000000  }
0x3: {  	_ = 	snop  }
0x4: {  	_ = 	snop  }
0x5: {  	_ = 	snop  }
0x6: {  	_ = 	snop  }
0x7: {  	_ = 	snop  }
__scs_overlays_trampoline_lowered:
0x8: {  	[smem:$0x3FAE] =	sst s0  }
0x9: {  	[smem:$0x3FAF] =	sst s1  }
0xa: {  	[smem:$0x3FB0] =	sst s2  }
0xb: {  	[smem:$0x3FB1] =	sst s3  }
0xc: {  	[smem:$0x3FB2] =	sst s4  }
0xd: {  	[smem:$0x3FB3] =	sst s5  }
0xe: {  	[smem:$0x3FB4] =	sst s6  }
0xf: {  	[smem:$0x3FB5] =	sst s7  }
0x10: {  	[smem:$0x3FB6] =	sst s8  }
0x11: {  	[smem:$0x3FB7] =	sst s9;
	s0 =	simm.s32 @!p0 $0x0  }
0x12: {  	s1 =	sld [smem:$0x3F9D];
	s0 =	simm.s32 @p0 $0x1  }
0x13: {  	[smem:$0x3FB8] =	sst s0;
	s0 =	simm.s32 @!p1 $0x0  }
0x14: {  	s2 =	sld [smem:$0x3F9C];
	s0 =	simm.s32 @p1 $0x1  }
0x15: {  	[smem:$0x3FB9] =	sst s0;
	s0 =	simm.s32 @!p2 $0x0  }
0x16: {  	s3 =	sld [smem:$0x3FDB];
	s0 =	simm.s32 @p2 $0x1  }
0x17: {  	s4 =	simm.s32 $0x1BF5;
	[smem:$0x3FBB] =	sst s0  }
0x18: {  	s0 =	sld [smem:$0x3F9E];
	_ =	swait.ge [sflag:s4], $0x0  }
0x19: {  	s7 =	sld [smem:$0x3F9F]  }
0x1a: {  	s8 =	sadd.s32 $0xFFFFE003, lr  }
0x1b: {  	s9 =	sadd.s32 $0xFFFFFEF7, lr;
	s5 =	simm.s32 $0xFFFFFFFF;
	p2 =	slt.u32 s8, $0xFFFFF086  }
0x1c: {  	p1 =	slt.u32 s9, $0xF7A;
	s5 =	simm.s32 @!p2 $0x0  }
0x1d: {  	s5 =	simm.s32 @p1 $0x1;
	p0 =	seq.s32 s7, s2  }
0x1e: {  	s7 =	smul.u32 @!p0 $0xF7A, s2;
	p2 =	seq.s32 @!p0 s5, $0x0  }
0x1f: {  	s9 =	smul.u32 $0xF7A, s1;
	s8 =	simm.s32 @!p0 $0x1BF5;
	p2 =	por !p2, p0  }
0x20: {  	[sflag:s8] =	ssyncset.s32 @!p0 $0xFFFFF086;
	s6 =	sadd.s32 @!p0 s3, s7;
	s7 =	simm.s32 @!p0 $0x108  }
0x21: {  	s3 =	sadd.s32 s3, s9;
	s6 =	sadd.s32 @!p0 $0x88, s6;
	s7 =	simm.s32 @p2 $0x1082  }
0x22: {  	[simem:s7], [sflag:s8] =	dma.local @!p0 [hbm:s6], $0xF7A  }
0x23: {  	s9 =	sor.u32 $0xD0000000, s2;
	s6 =	simm.s32 $0x108;
	_ =	swait.ge @!p0 [sflag:s8], $0x0  }
0x24: {  	s3 =	sadd.s32 $0x88, s3;
	s6 =	simm.s32 @!p1 $0x1082;
	[sflag:s4] =	ssyncset.s32 $0xFFFFF086  }
0x25: {  	[simem:s6], [sflag:s4] =	dma.local [hbm:s3], $0xF7A  }
0x26: {  	[smem:$0x3F9F] =	sst s1;
	(tag) =	ssettag s2;
	_ =	strace s9  }
0x27: {  	s1 =	sld [smem:$0x3FAF]  }
0x28: {  	s2 =	sld [smem:$0x3FB0]  }
0x29: {  	s4 =	sld [smem:$0x3FB2]  }
0x2a: {  	p0 =	seq.s32 s5, $0x0;
	s5 =	sld [smem:$0x3FB3]  }
0x2b: {  	s6 =	sld [smem:$0x3FB4]  }
0x2c: {  	s7 =	sld [smem:$0x3FB5]  }
0x2d: {  	s3 =	simm.s32 $0x108;
	s8 =	sld [smem:$0x3FB6]  }
0x2e: {  	s3 =	simm.s32 @!p0 $0x1082;
	s9 =	sld [smem:$0x3FB7]  }
0x2f: {  	lr =	sadd.s32 s0, s3;
	s0 =	sld [smem:$0x3FAE]  }
0x30: {  	s3 =	sld [smem:$0x3FB1]  }
0x31: {  	[smem:$0x3FBA] =	sst s10  }
0x32: {  	s10 =	sld [smem:$0x3FB8];
	_ =	sdelay $0x3  }
0x33: {  	p0 =	seq.s32 s10, $0x1;
	s10 =	sld [smem:$0x3FBA];
	_ =	sdelay $0x3  }
0x34: {  	[smem:$0x3FBA] =	sst s10  }
0x35: {  	s10 =	sld [smem:$0x3FB9];
	_ =	sdelay $0x3  }
0x36: {  	p1 =	seq.s32 s10, $0x1;
	s10 =	sld [smem:$0x3FBA];
	_ =	sdelay $0x3  }
0x37: {  	[smem:$0x3FBA] =	sst s10  }
0x38: {  	s10 =	sld [smem:$0x3FBB]  }
0x39: {  	_ = 	snop;
	(pc) =	sbr.ind lr, $3  }
0x3a: {  	_ = 	snop  }
0x3b: {  	_ = 	snop  }
0x3c: {  	p2 =	seq.s32 s10, $0x1;
	s10 =	sld [smem:$0x3FBA]  }
0x3d: {  	_ =	shalt  }
0x3e: {  	_ =	shalt  }
0x3f: {  	_ =	shalt  }
0x40: {  	_ =	shalt  }
0x41: {  	_ =	shalt  }
0x42: {  	_ =	shalt  }
0x43: {  	_ =	shalt  }
0x44: {  	_ =	shalt  }
0x45: {  	_ =	shalt  }
0x46: {  	_ =	shalt  }
0x47: {  	_ =	shalt  }
0x48: {  	_ =	shalt  }
0x49: {  	_ =	shalt  }
0x4a: {  	_ =	shalt  }
0x4b: {  	_ =	shalt  }
0x4c: {  	_ =	shalt  }
0x4d: {  	_ =	shalt  }
0x4e: {  	_ =	shalt  }
0x4f: {  	_ =	shalt  }
0x50: {  	_ =	shalt  }
0x51: {  	_ =	shalt  }
0x52: {  	_ =	shalt  }
0x53: {  	_ =	shalt  }
0x54: {  	_ =	shalt  }
0x55: {  	_ =	shalt  }
0x56: {  	_ =	shalt  }
0x57: {  	_ =	shalt  }
0x58: {  	_ =	shalt  }
0x59: {  	_ =	shalt  }
0x5a: {  	_ =	shalt  }
0x5b: {  	_ =	shalt  }
0x5c: {  	_ =	shalt  }
0x5d: {  	_ =	shalt  }
0x5e: {  	_ =	shalt  }
0x5f: {  	_ =	shalt  }
0x60: {  	_ =	shalt  }
0x61: {  	_ =	shalt  }
0x62: {  	_ =	shalt  }
0x63: {  	_ =	shalt  }
0x64: {  	_ =	shalt  }
0x65: {  	_ =	shalt  }
0x66: {  	_ =	shalt  }
0x67: {  	_ =	shalt  }
0x68: {  	_ =	shalt  }
0x69: {  	_ =	shalt  }
0x6a: {  	_ =	shalt  }
0x6b: {  	_ =	shalt  }
0x6c: {  	_ =	shalt  }
0x6d: {  	_ =	shalt  }
0x6e: {  	_ =	shalt  }
0x6f: {  	_ =	shalt  }
0x70: {  	_ =	shalt  }
0x71: {  	_ =	shalt  }
0x72: {  	_ =	shalt  }
0x73: {  	_ =	shalt  }
0x74: {  	_ =	shalt  }
0x75: {  	_ =	shalt  }
0x76: {  	_ =	shalt  }
0x77: {  	_ =	shalt  }
0x78: {  	_ =	shalt  }
0x79: {  	_ =	shalt  }
0x7a: {  	_ =	shalt  }
0x7b: {  	_ =	shalt  }
0x7c: {  	_ =	shalt  }
0x7d: {  	_ =	shalt  }
0x7e: {  	_ =	shalt  }
0x7f: {  	_ =	shalt  }
0x80: {  	_ =	shalt  }
0x81: {  	_ =	shalt  }
0x82: {  	_ =	shalt  }
0x83: {  	_ =	shalt  }
0x84: {  	_ =	shalt  }
0x85: {  	_ =	shalt  }
0x86: {  	_ =	shalt  }
0x87: {  	_ =	shalt  }
.Lfunc_end0:
.L_simem_size_0:
called_computation.1_lowered:
.L_overlay_start_0:
0x88: {  	s2 =	sld [smem:$0x3FD9]  }
0x89: {  	s3 =	sld [smem:$0x3FFE];
	_ =	sdelay $0x1  }
0x8a: {  	s1 =	srdreg.scid  }
0x8b: {  	s0 =	sand.u32 $0x1, s1  }
0x8c: {  	s17 =	sshll.u32 s0, $0xA;
	s2 =	sadd.s32 s3, s2  }
0x8d: {  	s2 =	sadd.s32 s2, s17  }
0x8e: {  	[smem:$0x3FC6] =	sst s2  }
0x8f: {  	_ = 	snop  }
0x90: {  	s2 =	sld [smem:$0x3FD0];
	(tm) =	ssettm $0x1  }
0x91: {  	s18 =	sld [smem:$0x3FFB];
	_ =	sdelay $0x3  }
0x92: {  	_ =	strace s18  }
0x93: {  	s3 =	sld [smem:$0x3FFC];
	_ =	sdelay $0x3  }
0x94: {  	_ =	strace s3  }
0x95: {  	s3 =	sld [smem:$0x3FFD];
	_ =	sdelay $0x3  }
0x96: {  	_ =	strace s3  }
0x97: {  	_ =	strace $0x8FFFFFFF  }
0x98: {  	s19 =	sld [smem:$0x3FDB];
	_ =	sdelay $0x1  }
0x99: {  	s4 =	simm.s32 $_scs_section_size  }
0x9a: {  	s5 =	simm.s32 $_size__tile_overlayer_lowered;
	s6 =	simm.s32 $_tile_overlayer_lowered  }
0x9b: {  	s22 =	simm.s32 $0x1BFF;
	s21 =	sshll.u32 s6, $0x1;
	s3 =	sadd.s32 s4, s19  }
0x9c: {  	s7 =	simm.s32 $0x0;
	s20 =	sshll.u32 s5, $0x1;
	s5 =	sadd.s32 s21, s3  }
0x9d: {  	[timem:s7], [sflag:s22] =	dma.local [hbm:s5], s20  }
0x9e: {  	_ =	swait.ge [sflag:s22], s20  }
0x9f: {  	s4 =	ssub.s32 $0x0, s20;
	[sflag:s22] =	ssyncset.done $0x0  }
0xa0: {  	[sflag:s22] =	ssyncadd.s32 s4;
	_ =	sdelay $0x1  }
0xa1: {  	s23 =	simm.s32 $0x1B8B  }
0xa2: {  	_ =	swait.ge [sflag:s23], $0x1  }
0xa3: {  	[sflag:s23] =	ssyncset.done $0x0  }
0xa4: {  	s25 =	simm.s32 $0x1B8E;
	s24 =	sld [smem:$0x3FFE];
	[sflag:s23] =	ssyncadd.s32 $0xFFFFFFFF  }
0xa5: {  	s26 =	simm.s32 $execute0_lowered;
	[smem:$0x3FD2] =	sst s25  }
0xa6: {  	s5 =	sshll.u32 s26, $0x1;
	_ =	strace $0x80000049;
	[dreg:$0x1] =	wrdreg $0xFFFFFFFF  }
0xa7: {  	s28 =	simm.s32 $_size_execute0_lowered;
	s3 =	sadd.s32 s3, s5;
	[dreg:$0x0] =	wrdreg $0x0  }
0xa8: {  	s5 =	sshll.u32 s28, $0x1;
	[dreg:$0x2] =	wrdreg s3  }
0xa9: {  	[dreg:$0x3] =	wrdreg s5  }
0xaa: {  	[dreg:$0x4] =	wrdreg $0xC0  }
0xab: {  	_ =	task [dreg:s7], $0x5FFFF  }
0xac: {  	[dreg:$0x1] =	wrdreg $0xFFFFFFFF  }
0xad: {  	[dreg:$0x0] =	wrdreg $0x60  }
0xae: {  	[dreg:$0x2] =	wrdreg s24  }
0xaf: {  	[dreg:$0x3] =	wrdreg s2  }
0xb0: {  	[dreg:$0x4] =	wrdreg $0xC0000  }
0xb1: {  	[dreg:$0x5] =	wrdreg $0x15C800  }
0xb2: {  	[dreg:$0x6] =	wrdreg $0x9  }
0xb3: {  	_ =	task.clear_ibuf [dreg:s7], $0x7FFFF;
	_ =	strace $0x90000049  }
0xb4: {  	s29 =	simm.s32 $0x9;
	_ =	strace $0x8000004B  }
0xb5: {  	_ =	swait.ge [sflag:s29], $0x1  }
0xb6: {  	[sflag:s29] =	ssyncadd.s32 $0xFFFFFFFF  }
0xb7: {  	_ =	strace $0x9000004B  }
0xb8: {  	_ =	sfence  }
0xb9: {  	s30 =	sld [smem:$0x0];
	_ =	sdelay $0x2  }
0xba: {  	s31 =	sshll.u32 s1, $0xD;
	s1 =	sshrl.u32 s1, $0x2  }
0xbb: {  	s3 =	sand.u32 $0x4000, s31;
	s1 =	sadd.s32 s1, s30  }
0xbc: {  	s0 =	sor.u32 s3, s0;
	s1 =	sshll.u32 s1, $0x11  }
0xbd: {  	s0 =	sor.u32 s1, s0  }
0xbe: {  	s0 =	sadd.s32 $0x8F2B, s0  }
0xbf: {  	[sflag:s0] =	ssyncadd.remote.s32 $0x1  }
0xc0: {  	_ =	sfence.sel $0xFFFF  }
0xc1: {  	[dreg:$0x0] =	wrdreg $0xFFFFFFFF;
	(pc) =	sbr.abs _section_cstart, $3  }
0xc2: {  	[dreg:$0x1] =	wrdreg $0xFFFFFFFF  }
0xc3: {  	_ =	task.clear_ibuf [dreg:s7], $0x2FFFF;
	_ =	strace $0x9FFFFFFF  }
0xc4: {  	(tm) =	ssettm $0x7FFFFFFF  }
0xc5: {  	_ =	shalt  }
tec
execute0_lowered:
.L_overlay_start_1:
0x0: {  	(tag) =	ssettag $0x1  }
0x1: {  	s5 =	rddreg [dreg:$0x0]  }
0x2: {  	s12 =	rddreg [dreg:$0x1]  }
0x3: {  	s2 =	rddreg [dreg:$0x2];
	s0 =	stileid.u32  }
0x4: {  	s1 =	srdreg.scid;
	s3 =	rddreg [dreg:$0x3]  }
0x5: {  	s4 =	simm.s32 $0x0;
	s20 =	simm.s32 $0x40;
	s21 =	simm.s32 $0x5040  }
0x6: {  	s22 =	simm.s32 $0xB000;
	s23 =	simm.s32 $0x1;
	s7 =	smul.u32 $0x9C80, s0  }
0x7: {  	s24 =	simm.s32 $0x2;
	s25 =	simm.s32 $0x4F80;
	s9 =	smul.u32 $0xA00, s0  }
0x8: {  	s6 =	sand.u32 $0x1, s1;
	s1 =	rddreg [dreg:$0x4];
	s11 =	smul.u32 $0x27200, s0  }
0x9: {  	s28 =	simm.s32 $0x0;
	[smem:$0x7FF] =	sst s4;
	s16 =	smul.u32 $0x13880, s0  }
0xa: {  	p0 =	sgt.u32 s0, $0x7;
	s8 =	smul.u32 $0x9C800, s6;
	_ =	strace $0x8000004A  }
0xb: {  	s10 =	ssub.s32 $0x2, s6;
	s30 =	smul.u32 $0x9C400, s6;
	s18 =	sshll.u32 @!p0 s0, $0x6  }
0xc: {  	s9 =	sadd.s32 s9, s5;
	s26 =	sshrl.u32 s10, $0x1;
	s29 =	sshrl.u32 s11, $0x2  }
0xd: {  	s19 =	sadd.s32 s16, s3;
	s18 =	sor.u32 @!p0 $0x1C03, s18;
	s8 =	sadd.s32 s7, s8  }
0xe: {  	s14 =	ssub.s32 s10, s26;
	s15 =	sadd.s32 s29, s2;
	s6 =	sadd.s32 $0x82A00, s9  }
0xf: {  	s7 =	sadd.s32 s7, s2;
	s17 =	sadd.s32 s16, s30;
	s16 =	simm.s32 $0x5000  }
0x10: {  	s19 =	sshrl.u32 @!p0 s19, $0x3;
	s26 =	simm.s32 $0x4FC0;
	s8 =	sshrl.u32 s8, $0x3  }
0x11: {  	s10 =	sadd.s32 $0x6000, s15;
	s11 =	sadd.s32 $0x8000, s15;
	s31 =	sshrl.u32 s17, $0x3  }
0x12: {  	s14 =	smax.u32 s14, $0x1;
	s17 =	simm.s32 $0xA000;
	s13 =	sadd.s32 s8, s5  }
0x13: {  	s5 =	sadd.s32 $0xA00, s9;
	s8 =	sadd.s32 $0x2000, s15;
	s9 =	sadd.s32 $0x4000, s15  }
0x14: {  	v0 =	vimm.f32 $0.0e+00;
	s12 =	sadd.s32 s12, s31;
	s15 =	simm.s32 $0x3;
	s13 =	sadd.s32 $0xAA00, s13  }
.LBB2_1:
0x15: {  	[tilespmem:s4], [sflag:$0x3] =	stream.linear.gather [hbm4b:s5+s4], $0x5000, $0x38;
	[tilespmem:$0x1F8C0] =	vst v63  }
0x16: {  	_ =	swait.ge [sflag:s15], $0x5000  }
0x17: {  	[sflag:s15] =	ssyncset.done $0x0  }
0x18: {  	[sflag:s15] =	ssyncadd.s32 $0xFFFFB000  }
0x19: {  	[tilespmem:s16], [sflag:$0x3] =	stream.linear.gather [hbm4b:s6+s4], $0x5000, $0x38;
	[tilespmem:$0x1F8C0] =	vst v63  }
0x1a: {  	_ =	swait.ge [sflag:s15], $0x5000  }
0x1b: {  	[sflag:s15] =	ssyncset.done $0x0  }
0x1c: {  	s30 =	simm.s32 $0x100;
	s29 =	simm.s32 $0x0;
	[sflag:s15] =	ssyncadd.s32 $0xFFFFB000  }
.LBB2_2:
0x1d: {  	p1 =	sne.s32 s30, $0x7F00;
	[tilespmem:s29+$0xA030] =	vst v0;
	s31 =	smov.u32 s30;
	s30 =	sadd.s32 $0x100, s30  }
.Ltmp0:
0x1e: {  	[tilespmem:s29+$0xA020] =	vst v0;
	(pc) =	sbr.rel @p1 .LBB2_2-.Ltmp0, $3  }
0x1f: {  	[tilespmem:s29+$0xA000] =	vst v0  }
0x20: {  	[tilespmem:s29+$0xA010] =	vst v0;
	_ =	sdelay $0x1  }
0x21: {  	s29 =	sshra.s32 s31, $0x2  }
0x22: {  	[tilespmem:s29+$0xA030] =	vst v0  }
0x23: {  	[tilespmem:s29+$0xA020] =	vst v0  }
0x24: {  	[tilespmem:s29+$0xA000] =	vst v0  }
0x25: {  	[tilespmem:s29+$0xA010] =	vst v0  }
0x26: {  	[spmem:s7] =	stream.linear.scatter [tilespmem:s17], [sflag:$0x3], $0x2000, $0x38;
	[tilespmem:$0x1F8C0] =	vst v63  }
0x27: {  	_ =	swait.ge [sflag:s15], $0x2000  }
0x28: {  	[sflag:s15] =	ssyncset.done $0x0  }
0x29: {  	[sflag:s15] =	ssyncadd.s32 $0xFFFFE000  }
0x2a: {  	[spmem:s8] =	stream.linear.scatter [tilespmem:s17], [sflag:$0x3], $0x2000, $0x38;
	[tilespmem:$0x1F8C0] =	vst v63  }
0x2b: {  	_ =	swait.ge [sflag:s15], $0x2000  }
0x2c: {  	[sflag:s15] =	ssyncset.done $0x0  }
0x2d: {  	[sflag:s15] =	ssyncadd.s32 $0xFFFFE000  }
0x2e: {  	[spmem:s9] =	stream.linear.scatter [tilespmem:s17], [sflag:$0x3], $0x2000, $0x38;
	[tilespmem:$0x1F8C0] =	vst v63  }
0x2f: {  	_ =	swait.ge [sflag:s15], $0x2000  }
0x30: {  	[sflag:s15] =	ssyncset.done $0x0  }
0x31: {  	[sflag:s15] =	ssyncadd.s32 $0xFFFFE000  }
0x32: {  	[spmem:s10] =	stream.linear.scatter [tilespmem:s17], [sflag:$0x3], $0x2000, $0x38;
	[tilespmem:$0x1F8C0] =	vst v63  }
0x33: {  	_ =	swait.ge [sflag:s15], $0x2000  }
0x34: {  	[sflag:s15] =	ssyncset.done $0x0  }
0x35: {  	[sflag:s15] =	ssyncadd.s32 $0xFFFFE000  }
0x36: {  	[spmem:s11] =	stream.linear.scatter [tilespmem:s17], [sflag:$0x3], $0x1C80, $0x38;
	[tilespmem:$0x1F8C0] =	vst v63  }
0x37: {  	_ =	swait.ge [sflag:s15], $0x1C80  }
0x38: {  	[sflag:s15] =	ssyncset.done $0x0  }
0x39: {  	s29 =	simm.s32 @!p0 $0x3;
	[sflag:s15] =	ssyncadd.s32 $0xFFFFE380  }
0x3a: {  	[spmem:s19], [sflag:s18] =	dma.local @!p0 [hbm:s12], $0x2710  }
0x3b: {  	_ =	swait.ge @!p0 [sflag:s29], $0x2710  }
0x3c: {  	[sflag:s29] =	ssyncset.done @!p0 $0x0  }
0x3d: {  	[sflag:s29] =	ssyncadd.s32 @!p0 $0xFFFFD8F0  }
0x3e: {  	[bflag:$0x0] =	sbarrier.arrive $0xFFFF  }
0x3f: {  	[tilespmem:s17], [sflag:$0x1] =	stream.indirect.gather [spmem:s3], $0x40, s16, s20, $0xb8;
	[tilespmem:$0x1F8C0] =	vst v63  }
0x40: {  	_ = 	snop  }
0x41: {  	[tilespmem:s22], [sflag:$0x2] =	stream.indirect.gather [spmem:s3], $0x40, s21, s20, $0xb8;
	[tilespmem:$0x1F8C0] =	vst v63  }
0x42: {  	_ =	swait.ge [sflag:s23], $0x1000  }
0x43: {  	[sflag:s23] =	ssyncset.done $0x0  }
0x44: {  	s29 =	simm.s32 $0x0;
	[sflag:s23] =	ssyncadd.s32 $0xFFFFF000  }
0x45: {  	[spmem:s2] =	stream.indirect.scatter.add.f32 [tilespmem:s17], [sflag:$0x3], $0x40, s29, s20, $0xb8;
	[tilespmem:$0x1F8C0] =	vst v63  }
0x46: {  	_ =	swait.ge [sflag:s15], $0x1000  }
0x47: {  	[sflag:s15] =	ssyncset.done $0x0  }
0x48: {  	s29 =	simm.s32 $0x5080;
	[sflag:s15] =	ssyncadd.s32 $0xFFFFF000  }
0x49: {  	[tilespmem:s17], [sflag:$0x1] =	stream.indirect.gather [spmem:s3], $0x40, s29, s20, $0xb8;
	[tilespmem:$0x1F8C0] =	vst v63  }
0x4a: {  	_ =	swait.ge [sflag:s24], $0x1000  }
0x4b: {  	[sflag:s24] =	ssyncset.done $0x0  }
0x4c: {  	s29 =	simm.s32 $0x40;
	[sflag:s24] =	ssyncadd.s32 $0xFFFFF000  }
0x4d: {  	[spmem:s2] =	stream.indirect.scatter.add.f32 [tilespmem:s22], [sflag:$0x3], $0x40, s29, s20, $0xb8;
	[tilespmem:$0x1F8C0] =	vst v63  }
0x4e: {  	_ =	swait.ge [sflag:s15], $0x1000  }
0x4f: {  	[sflag:s15] =	ssyncset.done $0x0  }
0x50: {  	s30 =	simm.s32 $0x50C0;
	s29 =	simm.s32 $0x200;
	[sflag:s15] =	ssyncadd.s32 $0xFFFFF000  }
.LBB2_4:
0x51: {  	[tilespmem:s22], [sflag:$0x2] =	stream.indirect.gather [spmem:s3], $0x40, s30, s20, $0xb8;
	[tilespmem:$0x1F8C0] =	vst v63  }
0x52: {  	s30 =	smov.u32 s29  }
0x53: {  	p1 =	sne.s32 s29, $0x13C00;
	s29 =	sadd.s32 $0x200, s29;
	_ =	swait.ge [sflag:s23], $0x1000  }
0x54: {  	[sflag:s23] =	ssyncset.done $0x0  }
0x55: {  	s30 =	sshra.s32 s30, $0x2;
	[sflag:s23] =	ssyncadd.s32 $0xFFFFF000  }
0x56: {  	[spmem:s2] =	stream.indirect.scatter.add.f32 [tilespmem:s17], [sflag:$0x3], $0x40, s30, s20, $0xb8;
	[tilespmem:$0x1F8C0] =	vst v63  }
0x57: {  	_ =	swait.ge [sflag:s15], $0x1000  }
0x58: {  	[sflag:s15] =	ssyncset.done $0x0  }
0x59: {  	s31 =	sadd.s32 $0x5080, s30;
	[sflag:s15] =	ssyncadd.s32 $0xFFFFF000  }
0x5a: {  	[tilespmem:s17], [sflag:$0x1] =	stream.indirect.gather [spmem:s3], $0x40, s31, s20, $0xb8;
	[tilespmem:$0x1F8C0] =	vst v63  }
0x5b: {  	_ =	swait.ge [sflag:s24], $0x1000  }
0x5c: {  	[sflag:s24] =	ssyncset.done $0x0  }
.Ltmp1:
0x5d: {  	s31 =	sadd.s32 $0x40, s30;
	[sflag:s24] =	ssyncadd.s32 $0xFFFFF000;
	(pc) =	sbr.rel @p1 .LBB2_4-.Ltmp1, $4  }
0x5e: {  	[spmem:s2] =	stream.indirect.scatter.add.f32 [tilespmem:s22], [sflag:$0x3], $0x40, s31, s20, $0xb8;
	[tilespmem:$0x1F8C0] =	vst v63  }
0x5f: {  	_ =	swait.ge [sflag:s15], $0x1000  }
0x60: {  	[sflag:s15] =	ssyncset.done $0x0  }
0x61: {  	s30 =	sadd.s32 $0x50C0, s30;
	[sflag:s15] =	ssyncadd.s32 $0xFFFFF000  }
0x62: {  	[tilespmem:s22], [sflag:$0x2] =	stream.indirect.gather [spmem:s3], $0x40, s30, s20, $0xb8;
	[tilespmem:$0x1F8C0] =	vst v63  }
0x63: {  	_ =	swait.ge [sflag:s23], $0x1000  }
0x64: {  	[sflag:s23] =	ssyncset.done $0x0  }
0x65: {  	[sflag:s23] =	ssyncadd.s32 $0xFFFFF000  }
0x66: {  	[spmem:s2] =	stream.indirect.scatter.add.f32 [tilespmem:s17], [sflag:$0x3], $0x40, s25, s20, $0xb8;
	[tilespmem:$0x1F8C0] =	vst v63  }
0x67: {  	_ =	swait.ge [sflag:s15], $0x1000  }
0x68: {  	[sflag:s15] =	ssyncset.done $0x0  }
0x69: {  	[sflag:s15] =	ssyncadd.s32 $0xFFFFF000  }
0x6a: {  	_ =	swait.ge [sflag:s24], $0x1000  }
0x6b: {  	[sflag:s24] =	ssyncset.done $0x0  }
0x6c: {  	[sflag:s24] =	ssyncadd.s32 $0xFFFFF000  }
0x6d: {  	[spmem:s2] =	stream.indirect.scatter.add.f32 [tilespmem:s22], [sflag:$0x3], $0x40, s26, s20, $0xb8;
	[tilespmem:$0x1F8C0] =	vst v63  }
0x6e: {  	_ =	swait.ge [sflag:s15], $0x1000  }
0x6f: {  	s29 =	sshll.u32 s0, $0x6;
	s28 =	sadd.s32 $0x1, s28;
	[sflag:s15] =	ssyncset.done $0x0  }
0x70: {  	s31 =	sshrl.u32 s7, $0x3;
	p1 =	sne.s32 s28, s14;
	[sflag:s15] =	ssyncadd.s32 $0xFFFFF000  }
.Ltmp2:
0x71: {  	s29 =	sor.u32 $0x1C03, s29;
	[bflag:$0x0] =	sbarrier.arrive $0xFFFF;
	(pc) =	sbr.rel @p1 .LBB2_1-.Ltmp2, $4  }
0x72: {  	[hbm:s13], [sflag:s29] =	dma.local [spmem:s31], $0x1390  }
0x73: {  	_ =	swait.ge [sflag:s15], $0x1390  }
0x74: {  	[sflag:s15] =	ssyncset.done $0x0  }
0x75: {  	[sflag:s15] =	ssyncadd.s32 $0xFFFFEC70  }
0x76: {  	_ =	sfence.sel $0x180000  }
0x77: {  	[bflag:$0x0] =	sbarrier.arrive $0xFFFF  }
0x78: {  	p0 =	sne.s32 s0, $0x0;
	_ =	strace $0x9000004A  }
0x79: {  	s0 =	sadd.s32 @!p0 $0x100000, s1;
	[bflag:$0x2] =	sbarrier.arrive $0xFFFF  }
0x7a: {  	[sflag:s0] =	ssyncadd.tile.s32 @!p0 $0x1;
	_ =	shalt  }
.Lfunc_end2:
_tile_overlayer_lowered:
.L_overlay_start_2:
0x7b: {  	(tag) =	ssettag $0x2  }
0x7c: {  	s0 =	rddreg [dreg:$0x0];
	s2 =	stileid.u32  }
0x7d: {  	s1 =	rddreg [dreg:$0x1];
	p0 =	sne.s32 s2, $0x0  }
0x7e: {  	s3 =	rddreg [dreg:$0x2];
	[bflag:$0x3] =	sbarrier.arrive $0xFFFF;
	s2 =	simm.s32 @!p0 $0x1C03  }
0x7f: {  	[timem:s3], [sflag:s2] =	dma.local @!p0 [hbm:s0], s1  }
0x80: {  	s0 =	simm.s32 @!p0 $0x3  }
0x81: {  	_ =	swait.ge @!p0 [sflag:s0], s1  }
0x82: {  	s1 =	ssub.s32 @!p0 $0x0, s1;
	[sflag:s0] =	ssyncset.done @!p0 $0x0  }
0x83: {  	[sflag:s0] =	ssyncadd.s32 @!p0 s1  }
0x84: {  	[bflag:$0x3] =	sbarrier.arrive $0xFFFF  }
0x85: {  	_ =	shalt  }

// kernel: kernel.7.cloned.1.call-start
scs
__scs_entry_jumppad:
0x0: {  	(pc) =	sbr.rel $0x88, $3  }
0x1: {  	(tag) =	ssettag $0x0;
	lr =	simm.s32 $0x1  }
0x2: {  	[smem:$0x3F9F] =	sst lr;
	_ =	strace $0xD0000000  }
0x3: {  	_ = 	snop  }
0x4: {  	_ = 	snop  }
0x5: {  	_ = 	snop  }
0x6: {  	_ = 	snop  }
0x7: {  	_ = 	snop  }
__scs_overlays_trampoline_lowered:
0x8: {  	[smem:$0x3FAE] =	sst s0  }
0x9: {  	[smem:$0x3FAF] =	sst s1  }
0xa: {  	[smem:$0x3FB0] =	sst s2  }
0xb: {  	[smem:$0x3FB1] =	sst s3  }
0xc: {  	[smem:$0x3FB2] =	sst s4  }
0xd: {  	[smem:$0x3FB3] =	sst s5  }
0xe: {  	[smem:$0x3FB4] =	sst s6  }
0xf: {  	[smem:$0x3FB5] =	sst s7  }
0x10: {  	[smem:$0x3FB6] =	sst s8  }
0x11: {  	[smem:$0x3FB7] =	sst s9;
	s0 =	simm.s32 @!p0 $0x0  }
0x12: {  	s1 =	sld [smem:$0x3F9D];
	s0 =	simm.s32 @p0 $0x1  }
0x13: {  	[smem:$0x3FB8] =	sst s0;
	s0 =	simm.s32 @!p1 $0x0  }
0x14: {  	s2 =	sld [smem:$0x3F9C];
	s0 =	simm.s32 @p1 $0x1  }
0x15: {  	[smem:$0x3FB9] =	sst s0;
	s0 =	simm.s32 @!p2 $0x0  }
0x16: {  	s3 =	sld [smem:$0x3FDB];
	s0 =	simm.s32 @p2 $0x1  }
0x17: {  	s4 =	simm.s32 $0x1BF5;
	[smem:$0x3FBB] =	sst s0  }
0x18: {  	s0 =	sld [smem:$0x3F9E];
	_ =	swait.ge [sflag:s4], $0x0  }
0x19: {  	s7 =	sld [smem:$0x3F9F]  }
0x1a: {  	s8 =	sadd.s32 $0xFFFFE003, lr  }
0x1b: {  	s9 =	sadd.s32 $0xFFFFFEF7, lr;
	s5 =	simm.s32 $0xFFFFFFFF;
	p2 =	slt.u32 s8, $0xFFFFF086  }
0x1c: {  	p1 =	slt.u32 s9, $0xF7A;
	s5 =	simm.s32 @!p2 $0x0  }
0x1d: {  	s5 =	simm.s32 @p1 $0x1;
	p0 =	seq.s32 s7, s2  }
0x1e: {  	s7 =	smul.u32 @!p0 $0xF7A, s2;
	p2 =	seq.s32 @!p0 s5, $0x0  }
0x1f: {  	s9 =	smul.u32 $0xF7A, s1;
	s8 =	simm.s32 @!p0 $0x1BF5;
	p2 =	por !p2, p0  }
0x20: {  	[sflag:s8] =	ssyncset.s32 @!p0 $0xFFFFF086;
	s6 =	sadd.s32 @!p0 s3, s7;
	s7 =	simm.s32 @!p0 $0x108  }
0x21: {  	s3 =	sadd.s32 s3, s9;
	s6 =	sadd.s32 @!p0 $0x88, s6;
	s7 =	simm.s32 @p2 $0x1082  }
0x22: {  	[simem:s7], [sflag:s8] =	dma.local @!p0 [hbm:s6], $0xF7A  }
0x23: {  	s9 =	sor.u32 $0xD0000000, s2;
	s6 =	simm.s32 $0x108;
	_ =	swait.ge @!p0 [sflag:s8], $0x0  }
0x24: {  	s3 =	sadd.s32 $0x88, s3;
	s6 =	simm.s32 @!p1 $0x1082;
	[sflag:s4] =	ssyncset.s32 $0xFFFFF086  }
0x25: {  	[simem:s6], [sflag:s4] =	dma.local [hbm:s3], $0xF7A  }
0x26: {  	[smem:$0x3F9F] =	sst s1;
	(tag) =	ssettag s2;
	_ =	strace s9  }
0x27: {  	s1 =	sld [smem:$0x3FAF]  }
0x28: {  	s2 =	sld [smem:$0x3FB0]  }
0x29: {  	s4 =	sld [smem:$0x3FB2]  }
0x2a: {  	p0 =	seq.s32 s5, $0x0;
	s5 =	sld [smem:$0x3FB3]  }
0x2b: {  	s6 =	sld [smem:$0x3FB4]  }
0x2c: {  	s7 =	sld [smem:$0x3FB5]  }
0x2d: {  	s3 =	simm.s32 $0x108;
	s8 =	sld [smem:$0x3FB6]  }
0x2e: {  	s3 =	simm.s32 @!p0 $0x1082;
	s9 =	sld [smem:$0x3FB7]  }
0x2f: {  	lr =	sadd.s32 s0, s3;
	s0 =	sld [smem:$0x3FAE]  }
0x30: {  	s3 =	sld [smem:$0x3FB1]  }
0x31: {  	[smem:$0x3FBA] =	sst s10  }
0x32: {  	s10 =	sld [smem:$0x3FB8];
	_ =	sdelay $0x3  }
0x33: {  	p0 =	seq.s32 s10, $0x1;
	s10 =	sld [smem:$0x3FBA];
	_ =	sdelay $0x3  }
0x34: {  	[smem:$0x3FBA] =	sst s10  }
0x35: {  	s10 =	sld [smem:$0x3FB9];
	_ =	sdelay $0x3  }
0x36: {  	p1 =	seq.s32 s10, $0x1;
	s10 =	sld [smem:$0x3FBA];
	_ =	sdelay $0x3  }
0x37: {  	[smem:$0x3FBA] =	sst s10  }
0x38: {  	s10 =	sld [smem:$0x3FBB]  }
0x39: {  	_ = 	snop;
	(pc) =	sbr.ind lr, $3  }
0x3a: {  	_ = 	snop  }
0x3b: {  	_ = 	snop  }
0x3c: {  	p2 =	seq.s32 s10, $0x1;
	s10 =	sld [smem:$0x3FBA]  }
0x3d: {  	_ =	shalt  }
0x3e: {  	_ =	shalt  }
0x3f: {  	_ =	shalt  }
0x40: {  	_ =	shalt  }
0x41: {  	_ =	shalt  }
0x42: {  	_ =	shalt  }
0x43: {  	_ =	shalt  }
0x44: {  	_ =	shalt  }
0x45: {  	_ =	shalt  }
0x46: {  	_ =	shalt  }
0x47: {  	_ =	shalt  }
0x48: {  	_ =	shalt  }
0x49: {  	_ =	shalt  }
0x4a: {  	_ =	shalt  }
0x4b: {  	_ =	shalt  }
0x4c: {  	_ =	shalt  }
0x4d: {  	_ =	shalt  }
0x4e: {  	_ =	shalt  }
0x4f: {  	_ =	shalt  }
0x50: {  	_ =	shalt  }
0x51: {  	_ =	shalt  }
0x52: {  	_ =	shalt  }
0x53: {  	_ =	shalt  }
0x54: {  	_ =	shalt  }
0x55: {  	_ =	shalt  }
0x56: {  	_ =	shalt  }
0x57: {  	_ =	shalt  }
0x58: {  	_ =	shalt  }
0x59: {  	_ =	shalt  }
0x5a: {  	_ =	shalt  }
0x5b: {  	_ =	shalt  }
0x5c: {  	_ =	shalt  }
0x5d: {  	_ =	shalt  }
0x5e: {  	_ =	shalt  }
0x5f: {  	_ =	shalt  }
0x60: {  	_ =	shalt  }
0x61: {  	_ =	shalt  }
0x62: {  	_ =	shalt  }
0x63: {  	_ =	shalt  }
0x64: {  	_ =	shalt  }
0x65: {  	_ =	shalt  }
0x66: {  	_ =	shalt  }
0x67: {  	_ =	shalt  }
0x68: {  	_ =	shalt  }
0x69: {  	_ =	shalt  }
0x6a: {  	_ =	shalt  }
0x6b: {  	_ =	shalt  }
0x6c: {  	_ =	shalt  }
0x6d: {  	_ =	shalt  }
0x6e: {  	_ =	shalt  }
0x6f: {  	_ =	shalt  }
0x70: {  	_ =	shalt  }
0x71: {  	_ =	shalt  }
0x72: {  	_ =	shalt  }
0x73: {  	_ =	shalt  }
0x74: {  	_ =	shalt  }
0x75: {  	_ =	shalt  }
0x76: {  	_ =	shalt  }
0x77: {  	_ =	shalt  }
0x78: {  	_ =	shalt  }
0x79: {  	_ =	shalt  }
0x7a: {  	_ =	shalt  }
0x7b: {  	_ =	shalt  }
0x7c: {  	_ =	shalt  }
0x7d: {  	_ =	shalt  }
0x7e: {  	_ =	shalt  }
0x7f: {  	_ =	shalt  }
0x80: {  	_ =	shalt  }
0x81: {  	_ =	shalt  }
0x82: {  	_ =	shalt  }
0x83: {  	_ =	shalt  }
0x84: {  	_ =	shalt  }
0x85: {  	_ =	shalt  }
0x86: {  	_ =	shalt  }
0x87: {  	_ =	shalt  }
.Lfunc_end0:
.L_simem_size_0:
called_computation_lowered:
.L_overlay_start_0:
0x88: {  	s2 =	sld [smem:$0x3FD9]  }
0x89: {  	s3 =	sld [smem:$0x3FFE];
	_ =	sdelay $0x1  }
0x8a: {  	s1 =	srdreg.scid  }
0x8b: {  	s0 =	sand.u32 $0x1, s1  }
0x8c: {  	s17 =	sshll.u32 s0, $0xA;
	s2 =	sadd.s32 s3, s2  }
0x8d: {  	s2 =	sadd.s32 s2, s17  }
0x8e: {  	[smem:$0x3FC6] =	sst s2  }
0x8f: {  	_ = 	snop  }
0x90: {  	s2 =	sld [smem:$0x3FD0];
	(tm) =	ssettm $0x1  }
0x91: {  	s18 =	sld [smem:$0x3FFB];
	_ =	sdelay $0x3  }
0x92: {  	_ =	strace s18  }
0x93: {  	s3 =	sld [smem:$0x3FFC];
	_ =	sdelay $0x3  }
0x94: {  	_ =	strace s3  }
0x95: {  	s3 =	sld [smem:$0x3FFD];
	_ =	sdelay $0x3  }
0x96: {  	_ =	strace s3  }
0x97: {  	_ =	strace $0x8FFFFFFF  }
0x98: {  	s19 =	sld [smem:$0x3FDB];
	_ =	sdelay $0x1  }
0x99: {  	s4 =	simm.s32 $_scs_section_size  }
0x9a: {  	s5 =	simm.s32 $_size__tile_overlayer_lowered;
	s6 =	simm.s32 $_tile_overlayer_lowered  }
0x9b: {  	s22 =	simm.s32 $0x1BFF;
	s21 =	sshll.u32 s6, $0x1;
	s3 =	sadd.s32 s4, s19  }
0x9c: {  	s7 =	simm.s32 $0x0;
	s20 =	sshll.u32 s5, $0x1;
	s5 =	sadd.s32 s21, s3  }
0x9d: {  	[timem:s7], [sflag:s22] =	dma.local [hbm:s5], s20  }
0x9e: {  	_ =	swait.ge [sflag:s22], s20  }
0x9f: {  	s4 =	ssub.s32 $0x0, s20;
	[sflag:s22] =	ssyncset.done $0x0  }
0xa0: {  	[sflag:s22] =	ssyncadd.s32 s4;
	_ =	sdelay $0x1  }
0xa1: {  	s23 =	simm.s32 $0x1B8B  }
0xa2: {  	_ =	swait.ge [sflag:s23], $0x1  }
0xa3: {  	[sflag:s23] =	ssyncset.done $0x0  }
0xa4: {  	s25 =	simm.s32 $0x1B8E;
	s24 =	sld [smem:$0x3FFE];
	[sflag:s23] =	ssyncadd.s32 $0xFFFFFFFF  }
0xa5: {  	s26 =	simm.s32 $execute0_lowered;
	[smem:$0x3FD2] =	sst s25  }
0xa6: {  	s5 =	sshll.u32 s26, $0x1;
	_ =	strace $0x80000046;
	[dreg:$0x1] =	wrdreg $0xFFFFFFFF  }
0xa7: {  	s28 =	simm.s32 $_size_execute0_lowered;
	s3 =	sadd.s32 s3, s5;
	[dreg:$0x0] =	wrdreg $0x0  }
0xa8: {  	s5 =	sshll.u32 s28, $0x1;
	[dreg:$0x2] =	wrdreg s3  }
0xa9: {  	[dreg:$0x3] =	wrdreg s5  }
0xaa: {  	[dreg:$0x4] =	wrdreg $0xC0  }
0xab: {  	_ =	task [dreg:s7], $0x5FFFF  }
0xac: {  	[dreg:$0x1] =	wrdreg $0xFFFFFFFF  }
0xad: {  	[dreg:$0x0] =	wrdreg $0x60  }
0xae: {  	[dreg:$0x2] =	wrdreg s24  }
0xaf: {  	[dreg:$0x3] =	wrdreg s2  }
0xb0: {  	[dreg:$0x4] =	wrdreg $0x68000  }
0xb1: {  	[dreg:$0x5] =	wrdreg $0x9  }
0xb2: {  	_ =	task.clear_ibuf [dreg:s7], $0x6FFFF;
	_ =	strace $0x90000046  }
0xb3: {  	s29 =	simm.s32 $0x9;
	_ =	strace $0x80000048  }
0xb4: {  	_ =	swait.ge [sflag:s29], $0x1  }
0xb5: {  	[sflag:s29] =	ssyncadd.s32 $0xFFFFFFFF  }
0xb6: {  	_ =	strace $0x90000048  }
0xb7: {  	_ =	sfence  }
0xb8: {  	s30 =	sld [smem:$0x0];
	_ =	sdelay $0x2  }
0xb9: {  	s31 =	sshll.u32 s1, $0xD;
	s1 =	sshrl.u32 s1, $0x2  }
0xba: {  	s3 =	sand.u32 $0x4000, s31;
	s1 =	sadd.s32 s1, s30  }
0xbb: {  	s0 =	sor.u32 s3, s0;
	s1 =	sshll.u32 s1, $0x11  }
0xbc: {  	s0 =	sor.u32 s1, s0  }
0xbd: {  	s0 =	sadd.s32 $0x8F2B, s0  }
0xbe: {  	[sflag:s0] =	ssyncadd.remote.s32 $0x1  }
0xbf: {  	_ =	sfence.sel $0xFFFF  }
0xc0: {  	[dreg:$0x0] =	wrdreg $0xFFFFFFFF;
	(pc) =	sbr.abs _section_cstart, $3  }
0xc1: {  	[dreg:$0x1] =	wrdreg $0xFFFFFFFF  }
0xc2: {  	_ =	task.clear_ibuf [dreg:s7], $0x2FFFF;
	_ =	strace $0x9FFFFFFF  }
0xc3: {  	(tm) =	ssettm $0x7FFFFFFF  }
tec
execute0_lowered:
.L_overlay_start_1:
0x0: {  	(tag) =	ssettag $0x1  }
0x1: {  	s6 =	rddreg [dreg:$0x0]  }
0x2: {  	s0 =	srdreg.scid;
	s2 =	rddreg [dreg:$0x1]  }
0x3: {  	s3 =	rddreg [dreg:$0x2];
	s4 =	simm.s32 $0x0;
	s13 =	simm.s32 $0x80  }
0x4: {  	s14 =	simm.s32 $0x1;
	s5 =	sand.u32 $0x1, s0;
	s0 =	stileid.u32  }
0x5: {  	s15 =	simm.s32 $0x0;
	[smem:$0x7FF] =	sst s4;
	s8 =	smul.u32 $0x14000, s0  }
0x6: {  	s1 =	sshll.u32 s5, $0x4;
	s9 =	smul.u32 $0x140000, s5;
	s5 =	ssub.s32 $0x2, s5  }
0x7: {  	s28 =	smul.u32 $0x50000, s0;
	s31 =	sshll.u32 s0, $0x6;
	s1 =	sor.u32 s0, s1  }
0x8: {  	s29 =	sshrl.u32 s5, $0x1;
	s7 =	smul.u32 $0x500, s1;
	s1 =	rddreg [dreg:$0x3]  }
0x9: {  	_ =	strace $0x80000047;
	s10 =	sshrl.u32 s8, $0x3;
	s8 =	sadd.s32 s8, s9  }
0xa: {  	s11 =	ssub.s32 s5, s29;
	s30 =	sshrl.u32 s28, $0x2;
	s9 =	simm.s32 $0x2  }
0xb: {  	s8 =	sshrl.u32 s8, $0x3;
	s10 =	sadd.s32 s10, s6;
	s12 =	sadd.s32 s30, s3  }
0xc: {  	s7 =	sadd.s32 s7, s6;
	s8 =	sadd.s32 s8, s6;
	s6 =	sadd.s32 $0xAA00, s10  }
0xd: {  	s10 =	simm.s32 $0x2800;
	s12 =	sshrl.u32 s12, $0x3;
	s5 =	sadd.s32 $0xA00, s7  }
0xe: {  	s7 =	sadd.s32 $0x32A00, s8;
	s8 =	smax.u32 s11, $0x1;
	s11 =	sor.u32 $0x1C02, s31  }
.LBB2_1:
0xf: {  	[tilespmem:s4], [sflag:$0x2] =	stream.linear.gather [hbm4b:s5+s4], $0x2800, $0x38;
	[tilespmem:$0x9000] =	vst v63  }
0x10: {  	_ =	swait.ge [sflag:s9], $0x2800  }
0x11: {  	[sflag:s9] =	ssyncset.done $0x0  }
0x12: {  	[sflag:s9] =	ssyncadd.s32 $0xFFFFD800  }
0x13: {  	[tilespmem:s10], [sflag:$0x2] =	stream.linear.gather [hbm4b:s2+s4], $0x4000, $0x38;
	[tilespmem:$0x9000] =	vst v63  }
0x14: {  	_ =	swait.ge [sflag:s9], $0x4000  }
0x15: {  	[sflag:s9] =	ssyncset.done $0x0  }
0x16: {  	[sflag:s9] =	ssyncadd.s32 $0xFFFFC000  }
0x17: {  	[spmem:s12], [sflag:s11] =	dma.local [hbm:s6], $0x2800  }
0x18: {  	_ =	swait.ge [sflag:s9], $0x2800  }
0x19: {  	[sflag:s9] =	ssyncset.done $0x0  }
0x1a: {  	[sflag:s9] =	ssyncadd.s32 $0xFFFFD800  }
0x1b: {  	s16 =	simm.s32 $0x200;
	s17 =	simm.s32 $0x0;
	[bflag:$0x0] =	sbarrier.arrive $0xFFFF  }
.LBB2_2:
0x1c: {  	[spmem:s3] =	stream.indirect.scatter.add.f32 [tilespmem:s10], [sflag:$0x1], $0x10, s17, s13, $0xb8;
	[tilespmem:$0x9000] =	vst v63  }
0x1d: {  	s17 =	smov.u32 s16;
	p0 =	sne.s32 s16, $0x9E00  }
.Ltmp0:
0x1e: {  	s16 =	sadd.s32 $0x200, s16;
	(pc) =	sbr.rel @p0 .LBB2_2-.Ltmp0, $2  }
0x1f: {  	_ =	sdelay $0x2  }
0x20: {  	s17 =	sshra.s32 s17, $0x2  }
0x21: {  	[spmem:s3] =	stream.indirect.scatter.add.f32 [tilespmem:s10], [sflag:$0x1], $0x10, s17, s13, $0xb8;
	[tilespmem:$0x9000] =	vst v63  }
0x22: {  	_ =	swait.ge [sflag:s14], $0x28000  }
0x23: {  	s15 =	sadd.s32 $0x1, s15;
	[sflag:s14] =	ssyncset.done $0x0  }
0x24: {  	p0 =	sne.s32 s15, s8;
	[sflag:s14] =	ssyncadd.s32 $0xFFFD8000  }
.Ltmp1:
0x25: {  	[bflag:$0x0] =	sbarrier.arrive $0xFFFF;
	(pc) =	sbr.rel @p0 .LBB2_1-.Ltmp1, $4  }
0x26: {  	[hbm:s7], [sflag:s11] =	dma.local [spmem:s12], $0x2800  }
0x27: {  	_ =	swait.ge [sflag:s9], $0x2800  }
0x28: {  	[sflag:s9] =	ssyncset.done $0x0  }
0x29: {  	[sflag:s9] =	ssyncadd.s32 $0xFFFFD800  }
0x2a: {  	_ =	sfence.sel $0x180000  }
0x2b: {  	[bflag:$0x0] =	sbarrier.arrive $0xFFFF  }
0x2c: {  	p0 =	sne.s32 s0, $0x0;
	_ =	strace $0x90000047  }
0x2d: {  	s0 =	sadd.s32 @!p0 $0x100000, s1;
	[bflag:$0x2] =	sbarrier.arrive $0xFFFF  }
0x2e: {  	[sflag:s0] =	ssyncadd.tile.s32 @!p0 $0x1;
	_ =	shalt  }
.Lfunc_end2:
_tile_overlayer_lowered:
.L_overlay_start_2:
0x2f: {  	(tag) =	ssettag $0x2  }
0x30: {  	s0 =	rddreg [dreg:$0x0];
	s2 =	stileid.u32  }
0x31: {  	s1 =	rddreg [dreg:$0x1];
	p0 =	sne.s32 s2, $0x0  }
0x32: {  	s3 =	rddreg [dreg:$0x2];
	[bflag:$0x3] =	sbarrier.arrive $0xFFFF;
	s2 =	simm.s32 @!p0 $0x1C02  }
0x33: {  	[timem:s3], [sflag:s2] =	dma.local @!p0 [hbm:s0], s1  }
0x34: {  	s0 =	simm.s32 @!p0 $0x2  }
0x35: {  	_ =	swait.ge @!p0 [sflag:s0], s1  }
0x36: {  	s1 =	ssub.s32 @!p0 $0x0, s1;
	[sflag:s0] =	ssyncset.done @!p0 $0x0  }
0x37: {  	[sflag:s0] =	ssyncadd.s32 @!p0 s1  }
0x38: {  	[bflag:$0x3] =	sbarrier.arrive $0xFFFF  }
0x39: {  	_ =	shalt  }

</sc_bundles>
